<compile_context>
chip_gen: v7x
topology: tpu7x:2x2x1
jax: 0.10.2.dev20260603
libtpu: 0.0.44.dev20260713+nightly
codegen_flags: <defaults>
</compile_context>

<pallas_src>
import jax
import jax.numpy as jnp
from jax import lax
from jax.experimental import pallas as pl
from jax.experimental.pallas import tpu as pltpu
from jax.experimental.pallas import tpu_sc as plsc

NC = 2
NS = 16
NW = NC * NS

N_PAD = 10112
ROWS_PER_TILE = N_PAD // NS
CHUNK = 128
NB_CORE0 = 60
NB_CORE1 = 20
FW = 128



def _make_sc_aggregate(nb0, nb1, nc_max):
  mesh = plsc.VectorSubcoreMesh(core_axis_name="c", subcore_axis_name="s")

  def body(table, src3, dst3, zrow, sums_out,
           acc, src_v, dst_v, buf, gs0, gs1, ss0, ss1):
    c = lax.axis_index("c")
    s = lax.axis_index("s")
    wid = c * NS + s
    nb = jnp.where(c == 0, nb0, nb1)
    base = s * ROWS_PER_TILE
    pltpu.sync_copy(src3.at[wid], src_v)
    pltpu.sync_copy(dst3.at[wid], dst_v)
    pltpu.sync_copy(zrow, acc.at[pl.ds(base, ROWS_PER_TILE)])
    plsc.subcore_barrier()

    gsem = (gs0, gs1)
    ssem = (ss0, ss1)

    def start_gather(j, b):
      return pltpu.async_copy(table.at[src_v.at[j]], buf.at[b], gsem[b])

    def wait_gather(b):
      pltpu.make_async_copy(table.at[src_v.at[0]], buf.at[b],
                            gsem[b]).wait()

    def start_scatter(j, b):
      return pltpu.async_copy(buf.at[b], acc.at[dst_v.at[j]], ssem[b],
                              add=True)

    def wait_scatter(b):
      pltpu.make_async_copy(buf.at[b], acc.at[dst_v.at[0]], ssem[b]).wait()

    start_gather(0, 0)
    start_gather(1, 1)

    def loop(i, carry):
      g = 2 * i
      wait_gather(0)
      start_scatter(g, 0)
      wait_gather(1)
      start_scatter(g + 1, 1)
      wait_scatter(0)
      start_gather(g + 2, 0)
      wait_scatter(1)
      start_gather(g + 3, 1)
      return carry

    lax.fori_loop(0, nb // 2 - 1, loop, 0)
    wait_gather(0)
    d0 = start_scatter(nb - 2, 0)
    wait_gather(1)
    d1 = start_scatter(nb - 1, 1)
    d0.wait()
    d1.wait()
    plsc.subcore_barrier()
    pltpu.sync_copy(acc.at[pl.ds(base, ROWS_PER_TILE)],
                    sums_out.at[c, pl.ds(base, ROWS_PER_TILE)])

  return pl.kernel(
      body,
      out_type=[jax.ShapeDtypeStruct((NC, N_PAD, FW), jnp.float32)],
      mesh=mesh,
      scratch_types=[
          pltpu.VMEM_SHARED((N_PAD, FW), jnp.float32),
          pltpu.VMEM((nc_max, CHUNK), jnp.int32),
          pltpu.VMEM((nc_max, CHUNK), jnp.int32),
          pltpu.VMEM((2, CHUNK, FW), jnp.float32),
          pltpu.SemaphoreType.DMA,
          pltpu.SemaphoreType.DMA,
          pltpu.SemaphoreType.DMA,
          pltpu.SemaphoreType.DMA,
      ])


def _make_sc_degree(n_chunks):
  mesh = plsc.VectorSubcoreMesh(core_axis_name="c", subcore_axis_name="s")

  def body(dst3, zrow, ones, cnts_out, cacc, dst_v, ones_v):
    c = lax.axis_index("c")
    s = lax.axis_index("s")
    wid = s * NC + c
    base = s * ROWS_PER_TILE
    pltpu.sync_copy(dst3.at[wid], dst_v)
    pltpu.sync_copy(ones, ones_v)
    pltpu.sync_copy(zrow, cacc.at[pl.ds(base, ROWS_PER_TILE)])
    plsc.subcore_barrier()

    def loop(j, carry):
      pltpu.sync_copy(ones_v, cacc.at[dst_v.at[j]], add=True)
      return carry

    lax.fori_loop(0, n_chunks, loop, 0)
    plsc.subcore_barrier()
    pltpu.sync_copy(cacc.at[pl.ds(base, ROWS_PER_TILE)],
                    cnts_out.at[c, pl.ds(base, ROWS_PER_TILE)])

  return pl.kernel(
      body,
      out_type=[jax.ShapeDtypeStruct((NC, N_PAD, FW), jnp.float32)],
      mesh=mesh,
      scratch_types=[
          pltpu.VMEM_SHARED((N_PAD, FW), jnp.float32),
          pltpu.VMEM((n_chunks, CHUNK), jnp.int32),
          pltpu.VMEM((CHUNK, FW), jnp.float32),
      ])



_BR = 632
_GRID = (N_PAD // _BR,)


def _rows(width):
  return pl.BlockSpec((_BR, width), lambda i: (i, 0))


def _full(r, cdim):
  return pl.BlockSpec((r, cdim), lambda i: (0, 0))


def _mm2_body(x_ref, wl_ref, wr_ref, xl_ref, xr_ref):
  xb = x_ref[...]
  xl_ref[...] = jnp.dot(xb, wl_ref[...], preferred_element_type=jnp.float32)
  xr_ref[...] = jnp.dot(xb, wr_ref[...], preferred_element_type=jnp.float32)


def _reduce_cnt_body(c0_ref, c1_ref, cnt_ref):
  cnt_ref[...] = (c0_ref[...] + c1_ref[...])[:, 0:1]


def _combine1_body(s0_ref, s1_ref, c_ref, xr_ref, b_ref, h_ref):
  cnt = jnp.maximum(c_ref[...], 1.0)
  mean = (s0_ref[...] + s1_ref[...]) / cnt
  h_ref[...] = jnp.maximum(mean + b_ref[...] + xr_ref[...], 0.0)


def _combine2_body(s0_ref, s1_ref, c_ref, h_ref, wl_ref, wr_ref,
                   b_ref, z_ref):
  cnt = jnp.maximum(c_ref[...], 1.0)
  mean = (s0_ref[...] + s1_ref[...]) / cnt
  z_ref[...] = (jnp.dot(mean, wl_ref[...], preferred_element_type=jnp.float32)
                + jnp.dot(h_ref[...], wr_ref[...],
                          preferred_element_type=jnp.float32)
                + b_ref[...])



@jax.jit
def kernel(x, edge_index, W1l, b1l, W1r, W2l, b2l, W2r):
  n, din = x.shape
  h_dim = W1l.shape[0]
  dout = W2l.shape[0]
  e = edge_index.shape[1]

  x_pad = jnp.pad(x, ((0, N_PAD - n), (0, 0)))
  per_tile = -(-e // (NW * CHUNK)) * CHUNK
  n_chunks = per_tile // CHUNK
  if n_chunks % 2:
    n_chunks += 1
    per_tile += CHUNK
  e_pad = NW * per_tile
  dst3 = jnp.concatenate(
      [edge_index[1], jnp.full((e_pad - e,), n, jnp.int32)]).reshape(
          NW, n_chunks, CHUNK)
  nc_max = max(NB_CORE0, NB_CORE1)
  e0 = NS * NB_CORE0 * CHUNK
  e1cap = NS * NB_CORE1 * CHUNK
  npad2 = e0 + e1cap - e

  def _slabs(a, fill):
    a = jnp.concatenate([a, jnp.full((npad2,), fill, jnp.int32)])
    a0 = jnp.pad(a[:e0].reshape(NS, NB_CORE0, CHUNK),
                 ((0, 0), (0, nc_max - NB_CORE0), (0, 0)))
    a1 = jnp.pad(a[e0:].reshape(NS, NB_CORE1, CHUNK),
                 ((0, 0), (0, nc_max - NB_CORE1), (0, 0)))
    return jnp.concatenate([a0, a1], axis=0)

  src3a = _slabs(edge_index[0], 0)
  dst3a = _slabs(edge_index[1], n)
  zrow = jnp.zeros((ROWS_PER_TILE, FW), jnp.float32)
  ones = jnp.ones((CHUNK, FW), jnp.float32)

  xl, xr = pl.pallas_call(
      _mm2_body,
      grid=_GRID,
      in_specs=[_rows(din), _full(din, h_dim), _full(din, h_dim)],
      out_specs=[_rows(h_dim), _rows(h_dim)],
      out_shape=[jax.ShapeDtypeStruct((N_PAD, h_dim), jnp.float32)] * 2,
  )(x_pad, W1l.T, W1r.T)

  (cnts,) = _make_sc_degree(n_chunks)(dst3, zrow, ones)
  (sums1,) = _make_sc_aggregate(NB_CORE0, NB_CORE1, nc_max)(
      xl, src3a, dst3a, zrow)
  cn = pl.pallas_call(
      _reduce_cnt_body,
      grid=_GRID,
      in_specs=[_rows(FW), _rows(FW)],
      out_specs=pl.BlockSpec((_BR, 1), lambda i: (i, 0)),
      out_shape=jax.ShapeDtypeStruct((N_PAD, 1), jnp.float32),
  )(cnts[0], cnts[1])
  h = pl.pallas_call(
      _combine1_body,
      grid=_GRID,
      in_specs=[_rows(h_dim), _rows(h_dim),
                pl.BlockSpec((_BR, 1), lambda i: (i, 0)),
                _rows(h_dim), _full(1, h_dim)],
      out_specs=_rows(h_dim),
      out_shape=jax.ShapeDtypeStruct((N_PAD, h_dim), jnp.float32),
  )(sums1[0], sums1[1], cn, xr, b1l.reshape(1, h_dim))

  (sums2,) = _make_sc_aggregate(NB_CORE0, NB_CORE1, nc_max)(
      h, src3a, dst3a, zrow)

  z = pl.pallas_call(
      _combine2_body,
      grid=_GRID,
      in_specs=[_rows(h_dim), _rows(h_dim),
                pl.BlockSpec((_BR, 1), lambda i: (i, 0)),
                _rows(h_dim), _full(h_dim, dout), _full(h_dim, dout),
                _full(1, dout)],
      out_specs=_rows(dout),
      out_shape=jax.ShapeDtypeStruct((N_PAD, dout), jnp.float32),
  )(sums2[0], sums2[1], cn, h, W2l.T, W2r.T,
    b2l.reshape(1, dout))

  return z[:n]

# --- scband reference (transcript-rebuilt; emitter-appended) ---
"""Pipeline reference for scband-graph-sage-1614907703895 (READ-ONLY COPY).

The authoritative reference and input builder live on the scoring server;
editing this copy changes nothing except your own understanding.
"""

import jax, jax.numpy as jnp
import numpy as np

N = 10000
E = 160000
DIN = 256
H = 128
DOUT = 256


def setup_inputs(seed: int = 0) -> dict:
    key = jax.random.key(seed)
    ks = jax.random.split(key, 8)
    x = jax.random.normal(ks[0], (N, DIN), dtype=jnp.float32)
    edge_index = jax.random.randint(ks[1], (2, E), 0, N, dtype=jnp.int32)
    # SAGEConv layer 1: lin_l (with bias) applied to mean-aggregated neighbors,
    # lin_r (no bias) applied to root features. PyG default aggr='mean'.
    W1l = jax.random.normal(ks[2], (H, DIN), dtype=jnp.float32) * (1.0 / np.sqrt(DIN))
    b1l = jnp.zeros((H,), dtype=jnp.float32)
    W1r = jax.random.normal(ks[3], (H, DIN), dtype=jnp.float32) * (1.0 / np.sqrt(DIN))
    # SAGEConv layer 2
    W2l = jax.random.normal(ks[4], (DOUT, H), dtype=jnp.float32) * (1.0 / np.sqrt(H))
    b2l = jnp.zeros((DOUT,), dtype=jnp.float32)
    W2r = jax.random.normal(ks[5], (DOUT, H), dtype=jnp.float32) * (1.0 / np.sqrt(H))
    return {
        "x": x,
        "edge_index": edge_index,
        "W1l": W1l,
        "b1l": b1l,
        "W1r": W1r,
        "W2l": W2l,
        "b2l": b2l,
        "W2r": W2r,
    }


def _sage_conv(x, edge_index, Wl, bl, Wr):
    src = edge_index[0]
    dst = edge_index[1]
    msg = jnp.take(x, src, axis=0)
    agg = jax.ops.segment_sum(msg, dst, num_segments=N)
    cnt = jax.ops.segment_sum(jnp.ones((edge_index.shape[1],), x.dtype), dst, num_segments=N)
    mean = agg / jnp.clip(cnt, 1.0)[:, None]
    return mean @ Wl.T + bl + x @ Wr.T


def reference(x, edge_index, W1l, b1l, W1r, W2l, b2l, W2r):
    h = _sage_conv(x, edge_index, W1l, b1l, W1r)
    h = jax.nn.relu(h)
    z = _sage_conv(h, edge_index, W2l, b2l, W2r)
    return z

if __name__ == "__main__":
    import jax
    _d = setup_inputs()
    print(jax.jit(kernel)(*tuple(_d.values())))

</pallas_src>

<mosaic_0001>
#map = affine_map<(d0, d1) -> (0, 0)>
#map1 = affine_map<(d0, d1) -> (0, 0, 0)>
module attributes {stable_mosaic.version = 14 : i64} {
  func.func @body(%arg0: i32, %arg1: i32, %arg2: memref<10112x128xf32, #tpu.memory_space<hbm>>, %arg3: memref<32x60x128xi32, #tpu.memory_space<hbm>>, %arg4: memref<32x60x128xi32, #tpu.memory_space<hbm>>, %arg5: memref<632x128xf32, #tpu.memory_space<hbm>>, %arg6: memref<2x10112x128xf32, #tpu.memory_space<hbm>>, %arg7: memref<10112x128xf32, #tpu.memory_space<vmem_shared>>, %arg8: memref<60x128xi32, #tpu.memory_space<vmem>>, %arg9: memref<60x128xi32, #tpu.memory_space<vmem>>, %arg10: memref<2x128x128xf32, #tpu.memory_space<vmem>>, %arg11: memref<!tpu.dma_semaphore, #tpu.memory_space<semaphore_mem>>, %arg12: memref<!tpu.dma_semaphore, #tpu.memory_space<semaphore_mem>>, %arg13: memref<!tpu.dma_semaphore, #tpu.memory_space<semaphore_mem>>, %arg14: memref<!tpu.dma_semaphore, #tpu.memory_space<semaphore_mem>>) attributes {dimension_semantics = [#tpu.dimension_semantics<core_parallel>, #tpu.dimension_semantics<subcore_parallel>], iteration_bounds = array<i64: 2, 16>, scalar_prefetch = 0 : i64, scratch_operands = 8 : i64, tpu.core_type = #tpu.core_type<sc_vector_subcore>, window_params = [{transform_indices = #map}, {transform_indices = #map1}, {transform_indices = #map1}, {transform_indices = #map}, {transform_indices = #map1}]} {
    %mul3A = arith.constant 16 : i32
    %mul3A_0 = arith.muli %arg0, %mul3A : i32
    %add3A = arith.addi %mul3A_0, %arg1 : i32
    %eq3A = arith.constant 0 : i32
    %eq3A_1 = arith.cmpi eq, %arg0, %eq3A : i32
    %jit3A = arith.constant 60 : i32
    %jit3A_2 = arith.constant 20 : i32
    %select_n3A = arith.select %eq3A_1, %jit3A, %jit3A_2 : i32
    %mul3A_3 = arith.constant 632 : i32
    %mul3A_4 = arith.muli %arg1, %mul3A_3 : i32
    "tpu.region"() ({
      %run_scoped3A = tpu.sem_alloc : memref<!tpu.dma_semaphore, #tpu.memory_space<semaphore_mem>>
      %dma_start3A_129 = arith.constant 0 : i32
      %dma_start3A_130 = arith.constant 0 : i32
      %dma_start3A_131 = tpu.memref_slice %arg3[%add3A, %dma_start3A_129, %dma_start3A_130] : memref<32x60x128xi32, #tpu.memory_space<hbm>> -> memref<1x60x128xi32, #tpu.memory_space<hbm>>
      %dma_start3A_132 = tpu.memref_squeeze %dma_start3A_131 : memref<1x60x128xi32, #tpu.memory_space<hbm>> -> memref<60x128xi32, #tpu.memory_space<hbm>>
      %dma_start3A_133 = arith.constant 0 : i32
      %dma_start3A_134 = arith.constant 0 : i32
      %dma_start3A_135 = tpu.memref_slice %arg3[%add3A, %dma_start3A_133, %dma_start3A_134] : memref<32x60x128xi32, #tpu.memory_space<hbm>> -> memref<1x60x128xi32, #tpu.memory_space<hbm>>
      %dma_start3A_136 = tpu.memref_squeeze %dma_start3A_135 : memref<1x60x128xi32, #tpu.memory_space<hbm>> -> memref<60x128xi32, #tpu.memory_space<hbm>>
      tpu.enqueue_dma source(%dma_start3A_136 : memref<60x128xi32, #tpu.memory_space<hbm>>) target(%arg8 : memref<60x128xi32, #tpu.memory_space<vmem>>) target_semaphore(%run_scoped3A : memref<!tpu.dma_semaphore, #tpu.memory_space<semaphore_mem>>)
      %dma_wait3A_137 = arith.constant 0 : i32
      %dma_wait3A_138 = arith.constant 0 : i32
      %dma_wait3A_139 = tpu.memref_slice %arg3[%add3A, %dma_wait3A_137, %dma_wait3A_138] : memref<32x60x128xi32, #tpu.memory_space<hbm>> -> memref<1x60x128xi32, #tpu.memory_space<hbm>>
      %dma_wait3A_140 = tpu.memref_squeeze %dma_wait3A_139 : memref<1x60x128xi32, #tpu.memory_space<hbm>> -> memref<60x128xi32, #tpu.memory_space<hbm>>
      %dma_wait3A_141 = arith.constant 0 : i32
      %dma_wait3A_142 = arith.constant 0 : i32
      %dma_wait3A_143 = tpu.memref_slice %arg3[%add3A, %dma_wait3A_141, %dma_wait3A_142] : memref<32x60x128xi32, #tpu.memory_space<hbm>> -> memref<1x60x128xi32, #tpu.memory_space<hbm>>
      %dma_wait3A_144 = tpu.memref_squeeze %dma_wait3A_143 : memref<1x60x128xi32, #tpu.memory_space<hbm>> -> memref<60x128xi32, #tpu.memory_space<hbm>>
      tpu.wait_dma2 semaphore(%run_scoped3A : memref<!tpu.dma_semaphore, #tpu.memory_space<semaphore_mem>>) src(%dma_wait3A_144 : memref<60x128xi32, #tpu.memory_space<hbm>>) dst(%arg8 : memref<60x128xi32, #tpu.memory_space<vmem>>)
      tpu.yield
    }) : () -> ()
    "tpu.region"() ({
      %run_scoped3A = tpu.sem_alloc : memref<!tpu.dma_semaphore, #tpu.memory_space<semaphore_mem>>
      %dma_start3A_129 = arith.constant 0 : i32
      %dma_start3A_130 = arith.constant 0 : i32
      %dma_start3A_131 = tpu.memref_slice %arg4[%add3A, %dma_start3A_129, %dma_start3A_130] : memref<32x60x128xi32, #tpu.memory_space<hbm>> -> memref<1x60x128xi32, #tpu.memory_space<hbm>>
      %dma_start3A_132 = tpu.memref_squeeze %dma_start3A_131 : memref<1x60x128xi32, #tpu.memory_space<hbm>> -> memref<60x128xi32, #tpu.memory_space<hbm>>
      %dma_start3A_133 = arith.constant 0 : i32
      %dma_start3A_134 = arith.constant 0 : i32
      %dma_start3A_135 = tpu.memref_slice %arg4[%add3A, %dma_start3A_133, %dma_start3A_134] : memref<32x60x128xi32, #tpu.memory_space<hbm>> -> memref<1x60x128xi32, #tpu.memory_space<hbm>>
      %dma_start3A_136 = tpu.memref_squeeze %dma_start3A_135 : memref<1x60x128xi32, #tpu.memory_space<hbm>> -> memref<60x128xi32, #tpu.memory_space<hbm>>
      tpu.enqueue_dma source(%dma_start3A_136 : memref<60x128xi32, #tpu.memory_space<hbm>>) target(%arg9 : memref<60x128xi32, #tpu.memory_space<vmem>>) target_semaphore(%run_scoped3A : memref<!tpu.dma_semaphore, #tpu.memory_space<semaphore_mem>>)
      %dma_wait3A_137 = arith.constant 0 : i32
      %dma_wait3A_138 = arith.constant 0 : i32
      %dma_wait3A_139 = tpu.memref_slice %arg4[%add3A, %dma_wait3A_137, %dma_wait3A_138] : memref<32x60x128xi32, #tpu.memory_space<hbm>> -> memref<1x60x128xi32, #tpu.memory_space<hbm>>
      %dma_wait3A_140 = tpu.memref_squeeze %dma_wait3A_139 : memref<1x60x128xi32, #tpu.memory_space<hbm>> -> memref<60x128xi32, #tpu.memory_space<hbm>>
      %dma_wait3A_141 = arith.constant 0 : i32
      %dma_wait3A_142 = arith.constant 0 : i32
      %dma_wait3A_143 = tpu.memref_slice %arg4[%add3A, %dma_wait3A_141, %dma_wait3A_142] : memref<32x60x128xi32, #tpu.memory_space<hbm>> -> memref<1x60x128xi32, #tpu.memory_space<hbm>>
      %dma_wait3A_144 = tpu.memref_squeeze %dma_wait3A_143 : memref<1x60x128xi32, #tpu.memory_space<hbm>> -> memref<60x128xi32, #tpu.memory_space<hbm>>
      tpu.wait_dma2 semaphore(%run_scoped3A : memref<!tpu.dma_semaphore, #tpu.memory_space<semaphore_mem>>) src(%dma_wait3A_144 : memref<60x128xi32, #tpu.memory_space<hbm>>) dst(%arg9 : memref<60x128xi32, #tpu.memory_space<vmem>>)
      tpu.yield
    }) : () -> ()
    "tpu.region"() ({
      %run_scoped3A = tpu.sem_alloc : memref<!tpu.dma_semaphore, #tpu.memory_space<semaphore_mem>>
      %dma_start3A_129 = arith.constant 0 : i32
      %dma_start3A_130 = tpu.memref_slice %arg7[%mul3A_4, %dma_start3A_129] : memref<10112x128xf32, #tpu.memory_space<vmem_shared>> -> memref<632x128xf32, #tpu.memory_space<vmem_shared>>
      tpu.enqueue_dma source(%arg5 : memref<632x128xf32, #tpu.memory_space<hbm>>) target(%dma_start3A_130 : memref<632x128xf32, #tpu.memory_space<vmem_shared>>) target_semaphore(%run_scoped3A : memref<!tpu.dma_semaphore, #tpu.memory_space<semaphore_mem>>)
      %dma_wait3A_131 = arith.constant 0 : i32
      %dma_wait3A_132 = tpu.memref_slice %arg7[%mul3A_4, %dma_wait3A_131] : memref<10112x128xf32, #tpu.memory_space<vmem_shared>> -> memref<632x128xf32, #tpu.memory_space<vmem_shared>>
      tpu.wait_dma2 semaphore(%run_scoped3A : memref<!tpu.dma_semaphore, #tpu.memory_space<semaphore_mem>>) src(%arg5 : memref<632x128xf32, #tpu.memory_space<hbm>>) dst(%dma_wait3A_132 : memref<632x128xf32, #tpu.memory_space<vmem_shared>>)
      tpu.yield
    }) : () -> ()
    %barrier3A = arith.constant 0 : index
    tpu.barrier barrier_id(%barrier3A)
    %dma_start3A = arith.constant 0 : i32
    %dma_start3A_5 = arith.constant 0 : i32
    %dma_start3A_6 = arith.constant 0 : i32
    %dma_start3A_7 = arith.constant 0 : i32
    %dma_start3A_8 = tpu.memref_slice %arg10[%dma_start3A_5, %dma_start3A_6, %dma_start3A_7] : memref<2x128x128xf32, #tpu.memory_space<vmem>> -> memref<1x128x128xf32, #tpu.memory_space<vmem>>
    %dma_start3A_9 = tpu.memref_squeeze %dma_start3A_8 : memref<1x128x128xf32, #tpu.memory_space<vmem>> -> memref<128x128xf32, #tpu.memory_space<vmem>>
    %dma_start3A_10 = arith.constant 0 : i32
    %dma_start3A_11 = tpu.memref_slice %arg8[%dma_start3A, %dma_start3A_10] : memref<60x128xi32, #tpu.memory_space<vmem>> -> memref<1x128xi32, #tpu.memory_space<vmem>>
    %dma_start3A_12 = tpu.memref_squeeze %dma_start3A_11 : memref<1x128xi32, #tpu.memory_space<vmem>> -> memref<128xi32, #tpu.memory_space<vmem>>
    %dma_start3A_13 = arith.constant 0 : i32
    %dma_start3A_14 = arith.constant 0 : i32
    %dma_start3A_15 = tpu.memref_slice %arg2[%dma_start3A_13, %dma_start3A_14] : memref<10112x128xf32, #tpu.memory_space<hbm>> -> memref<10112x128xf32, #tpu.memory_space<hbm>>
    tpu.enqueue_indirect_dma source(%dma_start3A_15 : memref<10112x128xf32, #tpu.memory_space<hbm>>) target(%dma_start3A_9 : memref<128x128xf32, #tpu.memory_space<vmem>>) offsets(%dma_start3A_12 : memref<128xi32, #tpu.memory_space<vmem>>) semaphore(%arg11 : memref<!tpu.dma_semaphore, #tpu.memory_space<semaphore_mem>>)
    %dma_start3A_16 = arith.constant 1 : i32
    %dma_start3A_17 = arith.constant 1 : i32
    %dma_start3A_18 = arith.constant 0 : i32
    %dma_start3A_19 = arith.constant 0 : i32
    %dma_start3A_20 = tpu.memref_slice %arg10[%dma_start3A_17, %dma_start3A_18, %dma_start3A_19] : memref<2x128x128xf32, #tpu.memory_space<vmem>> -> memref<1x128x128xf32, #tpu.memory_space<vmem>>
    %dma_start3A_21 = tpu.memref_squeeze %dma_start3A_20 : memref<1x128x128xf32, #tpu.memory_space<vmem>> -> memref<128x128xf32, #tpu.memory_space<vmem>>
    %dma_start3A_22 = arith.constant 0 : i32
    %dma_start3A_23 = tpu.memref_slice %arg8[%dma_start3A_16, %dma_start3A_22] : memref<60x128xi32, #tpu.memory_space<vmem>> -> memref<1x128xi32, #tpu.memory_space<vmem>>
    %dma_start3A_24 = tpu.memref_squeeze %dma_start3A_23 : memref<1x128xi32, #tpu.memory_space<vmem>> -> memref<128xi32, #tpu.memory_space<vmem>>
    %dma_start3A_25 = arith.constant 0 : i32
    %dma_start3A_26 = arith.constant 0 : i32
    %dma_start3A_27 = tpu.memref_slice %arg2[%dma_start3A_25, %dma_start3A_26] : memref<10112x128xf32, #tpu.memory_space<hbm>> -> memref<10112x128xf32, #tpu.memory_space<hbm>>
    tpu.enqueue_indirect_dma source(%dma_start3A_27 : memref<10112x128xf32, #tpu.memory_space<hbm>>) target(%dma_start3A_21 : memref<128x128xf32, #tpu.memory_space<vmem>>) offsets(%dma_start3A_24 : memref<128xi32, #tpu.memory_space<vmem>>) semaphore(%arg12 : memref<!tpu.dma_semaphore, #tpu.memory_space<semaphore_mem>>)
    %jit3A_28 = arith.constant 2 : i32
    %div3A = arith.divsi %select_n3A, %jit3A_28 : i32
    %sign3A = arith.constant 0 : i32
    %sign3A_29 = arith.cmpi sgt, %select_n3A, %sign3A : i32
    %sign3A_30 = arith.extui %sign3A_29 : i1 to i32
    %sign3A_31 = arith.constant 0 : i32
    %sign3A_32 = arith.cmpi slt, %select_n3A, %sign3A_31 : i32
    %sign3A_33 = arith.extui %sign3A_32 : i1 to i32
    %sign3A_34 = arith.subi %sign3A_30, %sign3A_33 : i32
    %sign3A_35 = arith.constant 0 : i32
    %sign3A_36 = arith.cmpi sgt, %jit3A_28, %sign3A_35 : i32
    %sign3A_37 = arith.extui %sign3A_36 : i1 to i32
    %sign3A_38 = arith.constant 0 : i32
    %sign3A_39 = arith.cmpi slt, %jit3A_28, %sign3A_38 : i32
    %sign3A_40 = arith.extui %sign3A_39 : i1 to i32
    %sign3A_41 = arith.subi %sign3A_37, %sign3A_40 : i32
    %ne3A = arith.cmpi ne, %sign3A_34, %sign3A_41 : i32
    %rem3A = arith.remsi %select_n3A, %jit3A_28 : i32
    %ne3A_42 = arith.constant 0 : i32
    %ne3A_43 = arith.cmpi ne, %rem3A, %ne3A_42 : i32
    %and3A = arith.andi %ne3A, %ne3A_43 : i1
    %sub3A = arith.constant 1 : i32
    %sub3A_44 = arith.subi %div3A, %sub3A : i32
    %select_n3A_45 = arith.select %and3A, %sub3A_44, %div3A : i32
    %sub3A_46 = arith.constant 1 : i32
    %sub3A_47 = arith.subi %select_n3A_45, %sub3A_46 : i32
    %while3A = arith.constant 0 : i32
    %while3A_48 = arith.constant 0 : i32
    %while3A_49 = arith.subi %sub3A_47, %while3A_48 : i32
    %while3A_50 = arith.addi %while3A_48, %while3A_49 : i32
    %while3A_51 = arith.constant 1 : i32
    %while3A_52 = arith.divsi %while3A_49, %while3A_51 : i32
    %while3A_53 = arith.muli %while3A_52, %while3A_51 : i32
    %while3A_54 = arith.addi %while3A_48, %while3A_53 : i32
    %while3A_55 = arith.constant 1 : i32
    scf.for %while3A_129 = %while3A_48 to %while3A_54 step %while3A_55  : i32 {
      %mul3A_130 = arith.constant 2 : i32
      %mul3A_131 = arith.muli %mul3A_130, %while3A_129 : i32
      %dma_wait3A_132 = arith.constant 0 : i32
      %dma_wait3A_133 = arith.constant 0 : i32
      %dma_wait3A_134 = arith.constant 0 : i32
      %dma_wait3A_135 = arith.constant 0 : i32
      %dma_wait3A_136 = tpu.memref_slice %arg10[%dma_wait3A_133, %dma_wait3A_134, %dma_wait3A_135] : memref<2x128x128xf32, #tpu.memory_space<vmem>> -> memref<1x128x128xf32, #tpu.memory_space<vmem>>
      %dma_wait3A_137 = tpu.memref_squeeze %dma_wait3A_136 : memref<1x128x128xf32, #tpu.memory_space<vmem>> -> memref<128x128xf32, #tpu.memory_space<vmem>>
      %dma_wait3A_138 = arith.constant 0 : i32
      %dma_wait3A_139 = tpu.memref_slice %arg8[%dma_wait3A_132, %dma_wait3A_138] : memref<60x128xi32, #tpu.memory_space<vmem>> -> memref<1x128xi32, #tpu.memory_space<vmem>>
      %dma_wait3A_140 = tpu.memref_squeeze %dma_wait3A_139 : memref<1x128xi32, #tpu.memory_space<vmem>> -> memref<128xi32, #tpu.memory_space<vmem>>
      %dma_wait3A_141 = arith.constant 0 : i32
      %dma_wait3A_142 = arith.constant 0 : i32
      %dma_wait3A_143 = tpu.memref_slice %arg2[%dma_wait3A_141, %dma_wait3A_142] : memref<10112x128xf32, #tpu.memory_space<hbm>> -> memref<10112x128xf32, #tpu.memory_space<hbm>>
      tpu.wait_indirect_dma semaphore(%arg11 : memref<!tpu.dma_semaphore, #tpu.memory_space<semaphore_mem>>) src(%dma_wait3A_143 : memref<10112x128xf32, #tpu.memory_space<hbm>>) dst(%dma_wait3A_137 : memref<128x128xf32, #tpu.memory_space<vmem>>)
      %dma_start3A_144 = arith.constant 0 : i32
      %dma_start3A_145 = arith.constant 0 : i32
      %dma_start3A_146 = arith.constant 0 : i32
      %dma_start3A_147 = tpu.memref_slice %arg10[%dma_start3A_144, %dma_start3A_145, %dma_start3A_146] : memref<2x128x128xf32, #tpu.memory_space<vmem>> -> memref<1x128x128xf32, #tpu.memory_space<vmem>>
      %dma_start3A_148 = tpu.memref_squeeze %dma_start3A_147 : memref<1x128x128xf32, #tpu.memory_space<vmem>> -> memref<128x128xf32, #tpu.memory_space<vmem>>
      %dma_start3A_149 = arith.constant 0 : i32
      %dma_start3A_150 = tpu.memref_slice %arg9[%mul3A_131, %dma_start3A_149] : memref<60x128xi32, #tpu.memory_space<vmem>> -> memref<1x128xi32, #tpu.memory_space<vmem>>
      %dma_start3A_151 = tpu.memref_squeeze %dma_start3A_150 : memref<1x128xi32, #tpu.memory_space<vmem>> -> memref<128xi32, #tpu.memory_space<vmem>>
      %dma_start3A_152 = arith.constant 0 : i32
      %dma_start3A_153 = arith.constant 0 : i32
      %dma_start3A_154 = tpu.memref_slice %arg7[%dma_start3A_152, %dma_start3A_153] : memref<10112x128xf32, #tpu.memory_space<vmem_shared>> -> memref<10112x128xf32, #tpu.memory_space<vmem_shared>>
      tpu.enqueue_indirect_dma source(%dma_start3A_148 : memref<128x128xf32, #tpu.memory_space<vmem>>) target(%dma_start3A_154 : memref<10112x128xf32, #tpu.memory_space<vmem_shared>>) offsets(%dma_start3A_151 : memref<128xi32, #tpu.memory_space<vmem>>) semaphore(%arg13 : memref<!tpu.dma_semaphore, #tpu.memory_space<semaphore_mem>>) {add = true}
      %dma_wait3A_155 = arith.constant 0 : i32
      %dma_wait3A_156 = arith.constant 1 : i32
      %dma_wait3A_157 = arith.constant 0 : i32
      %dma_wait3A_158 = arith.constant 0 : i32
      %dma_wait3A_159 = tpu.memref_slice %arg10[%dma_wait3A_156, %dma_wait3A_157, %dma_wait3A_158] : memref<2x128x128xf32, #tpu.memory_space<vmem>> -> memref<1x128x128xf32, #tpu.memory_space<vmem>>
      %dma_wait3A_160 = tpu.memref_squeeze %dma_wait3A_159 : memref<1x128x128xf32, #tpu.memory_space<vmem>> -> memref<128x128xf32, #tpu.memory_space<vmem>>
      %dma_wait3A_161 = arith.constant 0 : i32
      %dma_wait3A_162 = tpu.memref_slice %arg8[%dma_wait3A_155, %dma_wait3A_161] : memref<60x128xi32, #tpu.memory_space<vmem>> -> memref<1x128xi32, #tpu.memory_space<vmem>>
      %dma_wait3A_163 = tpu.memref_squeeze %dma_wait3A_162 : memref<1x128xi32, #tpu.memory_space<vmem>> -> memref<128xi32, #tpu.memory_space<vmem>>
      %dma_wait3A_164 = arith.constant 0 : i32
      %dma_wait3A_165 = arith.constant 0 : i32
      %dma_wait3A_166 = tpu.memref_slice %arg2[%dma_wait3A_164, %dma_wait3A_165] : memref<10112x128xf32, #tpu.memory_space<hbm>> -> memref<10112x128xf32, #tpu.memory_space<hbm>>
      tpu.wait_indirect_dma semaphore(%arg12 : memref<!tpu.dma_semaphore, #tpu.memory_space<semaphore_mem>>) src(%dma_wait3A_166 : memref<10112x128xf32, #tpu.memory_space<hbm>>) dst(%dma_wait3A_160 : memref<128x128xf32, #tpu.memory_space<vmem>>)
      %add3A_167 = arith.constant 1 : i32
      %add3A_168 = arith.addi %mul3A_131, %add3A_167 : i32
      %dma_start3A_169 = arith.constant 1 : i32
      %dma_start3A_170 = arith.constant 0 : i32
      %dma_start3A_171 = arith.constant 0 : i32
      %dma_start3A_172 = tpu.memref_slice %arg10[%dma_start3A_169, %dma_start3A_170, %dma_start3A_171] : memref<2x128x128xf32, #tpu.memory_space<vmem>> -> memref<1x128x128xf32, #tpu.memory_space<vmem>>
      %dma_start3A_173 = tpu.memref_squeeze %dma_start3A_172 : memref<1x128x128xf32, #tpu.memory_space<vmem>> -> memref<128x128xf32, #tpu.memory_space<vmem>>
      %dma_start3A_174 = arith.constant 0 : i32
      %dma_start3A_175 = tpu.memref_slice %arg9[%add3A_168, %dma_start3A_174] : memref<60x128xi32, #tpu.memory_space<vmem>> -> memref<1x128xi32, #tpu.memory_space<vmem>>
      %dma_start3A_176 = tpu.memref_squeeze %dma_start3A_175 : memref<1x128xi32, #tpu.memory_space<vmem>> -> memref<128xi32, #tpu.memory_space<vmem>>
      %dma_start3A_177 = arith.constant 0 : i32
      %dma_start3A_178 = arith.constant 0 : i32
      %dma_start3A_179 = tpu.memref_slice %arg7[%dma_start3A_177, %dma_start3A_178] : memref<10112x128xf32, #tpu.memory_space<vmem_shared>> -> memref<10112x128xf32, #tpu.memory_space<vmem_shared>>
      tpu.enqueue_indirect_dma source(%dma_start3A_173 : memref<128x128xf32, #tpu.memory_space<vmem>>) target(%dma_start3A_179 : memref<10112x128xf32, #tpu.memory_space<vmem_shared>>) offsets(%dma_start3A_176 : memref<128xi32, #tpu.memory_space<vmem>>) semaphore(%arg14 : memref<!tpu.dma_semaphore, #tpu.memory_space<semaphore_mem>>) {add = true}
      %dma_wait3A_180 = arith.constant 0 : i32
      %dma_wait3A_181 = arith.constant 0 : i32
      %dma_wait3A_182 = arith.constant 0 : i32
      %dma_wait3A_183 = arith.constant 0 : i32
      %dma_wait3A_184 = tpu.memref_slice %arg10[%dma_wait3A_180, %dma_wait3A_182, %dma_wait3A_183] : memref<2x128x128xf32, #tpu.memory_space<vmem>> -> memref<1x128x128xf32, #tpu.memory_space<vmem>>
      %dma_wait3A_185 = tpu.memref_squeeze %dma_wait3A_184 : memref<1x128x128xf32, #tpu.memory_space<vmem>> -> memref<128x128xf32, #tpu.memory_space<vmem>>
      %dma_wait3A_186 = arith.constant 0 : i32
      %dma_wait3A_187 = tpu.memref_slice %arg9[%dma_wait3A_181, %dma_wait3A_186] : memref<60x128xi32, #tpu.memory_space<vmem>> -> memref<1x128xi32, #tpu.memory_space<vmem>>
      %dma_wait3A_188 = tpu.memref_squeeze %dma_wait3A_187 : memref<1x128xi32, #tpu.memory_space<vmem>> -> memref<128xi32, #tpu.memory_space<vmem>>
      %dma_wait3A_189 = arith.constant 0 : i32
      %dma_wait3A_190 = arith.constant 0 : i32
      %dma_wait3A_191 = tpu.memref_slice %arg7[%dma_wait3A_189, %dma_wait3A_190] : memref<10112x128xf32, #tpu.memory_space<vmem_shared>> -> memref<10112x128xf32, #tpu.memory_space<vmem_shared>>
      tpu.wait_indirect_dma semaphore(%arg13 : memref<!tpu.dma_semaphore, #tpu.memory_space<semaphore_mem>>) src(%dma_wait3A_185 : memref<128x128xf32, #tpu.memory_space<vmem>>) dst(%dma_wait3A_191 : memref<10112x128xf32, #tpu.memory_space<vmem_shared>>)
      %add3A_192 = arith.constant 2 : i32
      %add3A_193 = arith.addi %mul3A_131, %add3A_192 : i32
      %dma_start3A_194 = arith.constant 0 : i32
      %dma_start3A_195 = arith.constant 0 : i32
      %dma_start3A_196 = arith.constant 0 : i32
      %dma_start3A_197 = tpu.memref_slice %arg10[%dma_start3A_194, %dma_start3A_195, %dma_start3A_196] : memref<2x128x128xf32, #tpu.memory_space<vmem>> -> memref<1x128x128xf32, #tpu.memory_space<vmem>>
      %dma_start3A_198 = tpu.memref_squeeze %dma_start3A_197 : memref<1x128x128xf32, #tpu.memory_space<vmem>> -> memref<128x128xf32, #tpu.memory_space<vmem>>
      %dma_start3A_199 = arith.constant 0 : i32
      %dma_start3A_200 = tpu.memref_slice %arg8[%add3A_193, %dma_start3A_199] : memref<60x128xi32, #tpu.memory_space<vmem>> -> memref<1x128xi32, #tpu.memory_space<vmem>>
      %dma_start3A_201 = tpu.memref_squeeze %dma_start3A_200 : memref<1x128xi32, #tpu.memory_space<vmem>> -> memref<128xi32, #tpu.memory_space<vmem>>
      %dma_start3A_202 = arith.constant 0 : i32
      %dma_start3A_203 = arith.constant 0 : i32
      %dma_start3A_204 = tpu.memref_slice %arg2[%dma_start3A_202, %dma_start3A_203] : memref<10112x128xf32, #tpu.memory_space<hbm>> -> memref<10112x128xf32, #tpu.memory_space<hbm>>
      tpu.enqueue_indirect_dma source(%dma_start3A_204 : memref<10112x128xf32, #tpu.memory_space<hbm>>) target(%dma_start3A_198 : memref<128x128xf32, #tpu.memory_space<vmem>>) offsets(%dma_start3A_201 : memref<128xi32, #tpu.memory_space<vmem>>) semaphore(%arg11 : memref<!tpu.dma_semaphore, #tpu.memory_space<semaphore_mem>>)
      %dma_wait3A_205 = arith.constant 1 : i32
      %dma_wait3A_206 = arith.constant 0 : i32
      %dma_wait3A_207 = arith.constant 0 : i32
      %dma_wait3A_208 = arith.constant 0 : i32
      %dma_wait3A_209 = tpu.memref_slice %arg10[%dma_wait3A_205, %dma_wait3A_207, %dma_wait3A_208] : memref<2x128x128xf32, #tpu.memory_space<vmem>> -> memref<1x128x128xf32, #tpu.memory_space<vmem>>
      %dma_wait3A_210 = tpu.memref_squeeze %dma_wait3A_209 : memref<1x128x128xf32, #tpu.memory_space<vmem>> -> memref<128x128xf32, #tpu.memory_space<vmem>>
      %dma_wait3A_211 = arith.constant 0 : i32
      %dma_wait3A_212 = tpu.memref_slice %arg9[%dma_wait3A_206, %dma_wait3A_211] : memref<60x128xi32, #tpu.memory_space<vmem>> -> memref<1x128xi32, #tpu.memory_space<vmem>>
      %dma_wait3A_213 = tpu.memref_squeeze %dma_wait3A_212 : memref<1x128xi32, #tpu.memory_space<vmem>> -> memref<128xi32, #tpu.memory_space<vmem>>
      %dma_wait3A_214 = arith.constant 0 : i32
      %dma_wait3A_215 = arith.constant 0 : i32
      %dma_wait3A_216 = tpu.memref_slice %arg7[%dma_wait3A_214, %dma_wait3A_215] : memref<10112x128xf32, #tpu.memory_space<vmem_shared>> -> memref<10112x128xf32, #tpu.memory_space<vmem_shared>>
      tpu.wait_indirect_dma semaphore(%arg14 : memref<!tpu.dma_semaphore, #tpu.memory_space<semaphore_mem>>) src(%dma_wait3A_210 : memref<128x128xf32, #tpu.memory_space<vmem>>) dst(%dma_wait3A_216 : memref<10112x128xf32, #tpu.memory_space<vmem_shared>>)
      %add3A_217 = arith.constant 3 : i32
      %add3A_218 = arith.addi %mul3A_131, %add3A_217 : i32
      %dma_start3A_219 = arith.constant 1 : i32
      %dma_start3A_220 = arith.constant 0 : i32
      %dma_start3A_221 = arith.constant 0 : i32
      %dma_start3A_222 = tpu.memref_slice %arg10[%dma_start3A_219, %dma_start3A_220, %dma_start3A_221] : memref<2x128x128xf32, #tpu.memory_space<vmem>> -> memref<1x128x128xf32, #tpu.memory_space<vmem>>
      %dma_start3A_223 = tpu.memref_squeeze %dma_start3A_222 : memref<1x128x128xf32, #tpu.memory_space<vmem>> -> memref<128x128xf32, #tpu.memory_space<vmem>>
      %dma_start3A_224 = arith.constant 0 : i32
      %dma_start3A_225 = tpu.memref_slice %arg8[%add3A_218, %dma_start3A_224] : memref<60x128xi32, #tpu.memory_space<vmem>> -> memref<1x128xi32, #tpu.memory_space<vmem>>
      %dma_start3A_226 = tpu.memref_squeeze %dma_start3A_225 : memref<1x128xi32, #tpu.memory_space<vmem>> -> memref<128xi32, #tpu.memory_space<vmem>>
      %dma_start3A_227 = arith.constant 0 : i32
      %dma_start3A_228 = arith.constant 0 : i32
      %dma_start3A_229 = tpu.memref_slice %arg2[%dma_start3A_227, %dma_start3A_228] : memref<10112x128xf32, #tpu.memory_space<hbm>> -> memref<10112x128xf32, #tpu.memory_space<hbm>>
      tpu.enqueue_indirect_dma source(%dma_start3A_229 : memref<10112x128xf32, #tpu.memory_space<hbm>>) target(%dma_start3A_223 : memref<128x128xf32, #tpu.memory_space<vmem>>) offsets(%dma_start3A_226 : memref<128xi32, #tpu.memory_space<vmem>>) semaphore(%arg12 : memref<!tpu.dma_semaphore, #tpu.memory_space<semaphore_mem>>)
    }
    %while3A_56 = arith.constant 1 : i32
    scf.for %while3A_129 = %while3A_54 to %while3A_50 step %while3A_56  : i32 {
      %mul3A_130 = arith.constant 2 : i32
      %mul3A_131 = arith.muli %mul3A_130, %while3A_129 : i32
      %dma_wait3A_132 = arith.constant 0 : i32
      %dma_wait3A_133 = arith.constant 0 : i32
      %dma_wait3A_134 = arith.constant 0 : i32
      %dma_wait3A_135 = arith.constant 0 : i32
      %dma_wait3A_136 = tpu.memref_slice %arg10[%dma_wait3A_133, %dma_wait3A_134, %dma_wait3A_135] : memref<2x128x128xf32, #tpu.memory_space<vmem>> -> memref<1x128x128xf32, #tpu.memory_space<vmem>>
      %dma_wait3A_137 = tpu.memref_squeeze %dma_wait3A_136 : memref<1x128x128xf32, #tpu.memory_space<vmem>> -> memref<128x128xf32, #tpu.memory_space<vmem>>
      %dma_wait3A_138 = arith.constant 0 : i32
      %dma_wait3A_139 = tpu.memref_slice %arg8[%dma_wait3A_132, %dma_wait3A_138] : memref<60x128xi32, #tpu.memory_space<vmem>> -> memref<1x128xi32, #tpu.memory_space<vmem>>
      %dma_wait3A_140 = tpu.memref_squeeze %dma_wait3A_139 : memref<1x128xi32, #tpu.memory_space<vmem>> -> memref<128xi32, #tpu.memory_space<vmem>>
      %dma_wait3A_141 = arith.constant 0 : i32
      %dma_wait3A_142 = arith.constant 0 : i32
      %dma_wait3A_143 = tpu.memref_slice %arg2[%dma_wait3A_141, %dma_wait3A_142] : memref<10112x128xf32, #tpu.memory_space<hbm>> -> memref<10112x128xf32, #tpu.memory_space<hbm>>
      tpu.wait_indirect_dma semaphore(%arg11 : memref<!tpu.dma_semaphore, #tpu.memory_space<semaphore_mem>>) src(%dma_wait3A_143 : memref<10112x128xf32, #tpu.memory_space<hbm>>) dst(%dma_wait3A_137 : memref<128x128xf32, #tpu.memory_space<vmem>>)
      %dma_start3A_144 = arith.constant 0 : i32
      %dma_start3A_145 = arith.constant 0 : i32
      %dma_start3A_146 = arith.constant 0 : i32
      %dma_start3A_147 = tpu.memref_slice %arg10[%dma_start3A_144, %dma_start3A_145, %dma_start3A_146] : memref<2x128x128xf32, #tpu.memory_space<vmem>> -> memref<1x128x128xf32, #tpu.memory_space<vmem>>
      %dma_start3A_148 = tpu.memref_squeeze %dma_start3A_147 : memref<1x128x128xf32, #tpu.memory_space<vmem>> -> memref<128x128xf32, #tpu.memory_space<vmem>>
      %dma_start3A_149 = arith.constant 0 : i32
      %dma_start3A_150 = tpu.memref_slice %arg9[%mul3A_131, %dma_start3A_149] : memref<60x128xi32, #tpu.memory_space<vmem>> -> memref<1x128xi32, #tpu.memory_space<vmem>>
      %dma_start3A_151 = tpu.memref_squeeze %dma_start3A_150 : memref<1x128xi32, #tpu.memory_space<vmem>> -> memref<128xi32, #tpu.memory_space<vmem>>
      %dma_start3A_152 = arith.constant 0 : i32
      %dma_start3A_153 = arith.constant 0 : i32
      %dma_start3A_154 = tpu.memref_slice %arg7[%dma_start3A_152, %dma_start3A_153] : memref<10112x128xf32, #tpu.memory_space<vmem_shared>> -> memref<10112x128xf32, #tpu.memory_space<vmem_shared>>
      tpu.enqueue_indirect_dma source(%dma_start3A_148 : memref<128x128xf32, #tpu.memory_space<vmem>>) target(%dma_start3A_154 : memref<10112x128xf32, #tpu.memory_space<vmem_shared>>) offsets(%dma_start3A_151 : memref<128xi32, #tpu.memory_space<vmem>>) semaphore(%arg13 : memref<!tpu.dma_semaphore, #tpu.memory_space<semaphore_mem>>) {add = true}
      %dma_wait3A_155 = arith.constant 0 : i32
      %dma_wait3A_156 = arith.constant 1 : i32
      %dma_wait3A_157 = arith.constant 0 : i32
      %dma_wait3A_158 = arith.constant 0 : i32
      %dma_wait3A_159 = tpu.memref_slice %arg10[%dma_wait3A_156, %dma_wait3A_157, %dma_wait3A_158] : memref<2x128x128xf32, #tpu.memory_space<vmem>> -> memref<1x128x128xf32, #tpu.memory_space<vmem>>
      %dma_wait3A_160 = tpu.memref_squeeze %dma_wait3A_159 : memref<1x128x128xf32, #tpu.memory_space<vmem>> -> memref<128x128xf32, #tpu.memory_space<vmem>>
      %dma_wait3A_161 = arith.constant 0 : i32
      %dma_wait3A_162 = tpu.memref_slice %arg8[%dma_wait3A_155, %dma_wait3A_161] : memref<60x128xi32, #tpu.memory_space<vmem>> -> memref<1x128xi32, #tpu.memory_space<vmem>>
      %dma_wait3A_163 = tpu.memref_squeeze %dma_wait3A_162 : memref<1x128xi32, #tpu.memory_space<vmem>> -> memref<128xi32, #tpu.memory_space<vmem>>
      %dma_wait3A_164 = arith.constant 0 : i32
      %dma_wait3A_165 = arith.constant 0 : i32
      %dma_wait3A_166 = tpu.memref_slice %arg2[%dma_wait3A_164, %dma_wait3A_165] : memref<10112x128xf32, #tpu.memory_space<hbm>> -> memref<10112x128xf32, #tpu.memory_space<hbm>>
      tpu.wait_indirect_dma semaphore(%arg12 : memref<!tpu.dma_semaphore, #tpu.memory_space<semaphore_mem>>) src(%dma_wait3A_166 : memref<10112x128xf32, #tpu.memory_space<hbm>>) dst(%dma_wait3A_160 : memref<128x128xf32, #tpu.memory_space<vmem>>)
      %add3A_167 = arith.constant 1 : i32
      %add3A_168 = arith.addi %mul3A_131, %add3A_167 : i32
      %dma_start3A_169 = arith.constant 1 : i32
      %dma_start3A_170 = arith.constant 0 : i32
      %dma_start3A_171 = arith.constant 0 : i32
      %dma_start3A_172 = tpu.memref_slice %arg10[%dma_start3A_169, %dma_start3A_170, %dma_start3A_171] : memref<2x128x128xf32, #tpu.memory_space<vmem>> -> memref<1x128x128xf32, #tpu.memory_space<vmem>>
      %dma_start3A_173 = tpu.memref_squeeze %dma_start3A_172 : memref<1x128x128xf32, #tpu.memory_space<vmem>> -> memref<128x128xf32, #tpu.memory_space<vmem>>
      %dma_start3A_174 = arith.constant 0 : i32
      %dma_start3A_175 = tpu.memref_slice %arg9[%add3A_168, %dma_start3A_174] : memref<60x128xi32, #tpu.memory_space<vmem>> -> memref<1x128xi32, #tpu.memory_space<vmem>>
      %dma_start3A_176 = tpu.memref_squeeze %dma_start3A_175 : memref<1x128xi32, #tpu.memory_space<vmem>> -> memref<128xi32, #tpu.memory_space<vmem>>
      %dma_start3A_177 = arith.constant 0 : i32
      %dma_start3A_178 = arith.constant 0 : i32
      %dma_start3A_179 = tpu.memref_slice %arg7[%dma_start3A_177, %dma_start3A_178] : memref<10112x128xf32, #tpu.memory_space<vmem_shared>> -> memref<10112x128xf32, #tpu.memory_space<vmem_shared>>
      tpu.enqueue_indirect_dma source(%dma_start3A_173 : memref<128x128xf32, #tpu.memory_space<vmem>>) target(%dma_start3A_179 : memref<10112x128xf32, #tpu.memory_space<vmem_shared>>) offsets(%dma_start3A_176 : memref<128xi32, #tpu.memory_space<vmem>>) semaphore(%arg14 : memref<!tpu.dma_semaphore, #tpu.memory_space<semaphore_mem>>) {add = true}
      %dma_wait3A_180 = arith.constant 0 : i32
      %dma_wait3A_181 = arith.constant 0 : i32
      %dma_wait3A_182 = arith.constant 0 : i32
      %dma_wait3A_183 = arith.constant 0 : i32
      %dma_wait3A_184 = tpu.memref_slice %arg10[%dma_wait3A_180, %dma_wait3A_182, %dma_wait3A_183] : memref<2x128x128xf32, #tpu.memory_space<vmem>> -> memref<1x128x128xf32, #tpu.memory_space<vmem>>
      %dma_wait3A_185 = tpu.memref_squeeze %dma_wait3A_184 : memref<1x128x128xf32, #tpu.memory_space<vmem>> -> memref<128x128xf32, #tpu.memory_space<vmem>>
      %dma_wait3A_186 = arith.constant 0 : i32
      %dma_wait3A_187 = tpu.memref_slice %arg9[%dma_wait3A_181, %dma_wait3A_186] : memref<60x128xi32, #tpu.memory_space<vmem>> -> memref<1x128xi32, #tpu.memory_space<vmem>>
      %dma_wait3A_188 = tpu.memref_squeeze %dma_wait3A_187 : memref<1x128xi32, #tpu.memory_space<vmem>> -> memref<128xi32, #tpu.memory_space<vmem>>
      %dma_wait3A_189 = arith.constant 0 : i32
      %dma_wait3A_190 = arith.constant 0 : i32
      %dma_wait3A_191 = tpu.memref_slice %arg7[%dma_wait3A_189, %dma_wait3A_190] : memref<10112x128xf32, #tpu.memory_space<vmem_shared>> -> memref<10112x128xf32, #tpu.memory_space<vmem_shared>>
      tpu.wait_indirect_dma semaphore(%arg13 : memref<!tpu.dma_semaphore, #tpu.memory_space<semaphore_mem>>) src(%dma_wait3A_185 : memref<128x128xf32, #tpu.memory_space<vmem>>) dst(%dma_wait3A_191 : memref<10112x128xf32, #tpu.memory_space<vmem_shared>>)
      %add3A_192 = arith.constant 2 : i32
      %add3A_193 = arith.addi %mul3A_131, %add3A_192 : i32
      %dma_start3A_194 = arith.constant 0 : i32
      %dma_start3A_195 = arith.constant 0 : i32
      %dma_start3A_196 = arith.constant 0 : i32
      %dma_start3A_197 = tpu.memref_slice %arg10[%dma_start3A_194, %dma_start3A_195, %dma_start3A_196] : memref<2x128x128xf32, #tpu.memory_space<vmem>> -> memref<1x128x128xf32, #tpu.memory_space<vmem>>
      %dma_start3A_198 = tpu.memref_squeeze %dma_start3A_197 : memref<1x128x128xf32, #tpu.memory_space<vmem>> -> memref<128x128xf32, #tpu.memory_space<vmem>>
      %dma_start3A_199 = arith.constant 0 : i32
      %dma_start3A_200 = tpu.memref_slice %arg8[%add3A_193, %dma_start3A_199] : memref<60x128xi32, #tpu.memory_space<vmem>> -> memref<1x128xi32, #tpu.memory_space<vmem>>
      %dma_start3A_201 = tpu.memref_squeeze %dma_start3A_200 : memref<1x128xi32, #tpu.memory_space<vmem>> -> memref<128xi32, #tpu.memory_space<vmem>>
      %dma_start3A_202 = arith.constant 0 : i32
      %dma_start3A_203 = arith.constant 0 : i32
      %dma_start3A_204 = tpu.memref_slice %arg2[%dma_start3A_202, %dma_start3A_203] : memref<10112x128xf32, #tpu.memory_space<hbm>> -> memref<10112x128xf32, #tpu.memory_space<hbm>>
      tpu.enqueue_indirect_dma source(%dma_start3A_204 : memref<10112x128xf32, #tpu.memory_space<hbm>>) target(%dma_start3A_198 : memref<128x128xf32, #tpu.memory_space<vmem>>) offsets(%dma_start3A_201 : memref<128xi32, #tpu.memory_space<vmem>>) semaphore(%arg11 : memref<!tpu.dma_semaphore, #tpu.memory_space<semaphore_mem>>)
      %dma_wait3A_205 = arith.constant 1 : i32
      %dma_wait3A_206 = arith.constant 0 : i32
      %dma_wait3A_207 = arith.constant 0 : i32
      %dma_wait3A_208 = arith.constant 0 : i32
      %dma_wait3A_209 = tpu.memref_slice %arg10[%dma_wait3A_205, %dma_wait3A_207, %dma_wait3A_208] : memref<2x128x128xf32, #tpu.memory_space<vmem>> -> memref<1x128x128xf32, #tpu.memory_space<vmem>>
      %dma_wait3A_210 = tpu.memref_squeeze %dma_wait3A_209 : memref<1x128x128xf32, #tpu.memory_space<vmem>> -> memref<128x128xf32, #tpu.memory_space<vmem>>
      %dma_wait3A_211 = arith.constant 0 : i32
      %dma_wait3A_212 = tpu.memref_slice %arg9[%dma_wait3A_206, %dma_wait3A_211] : memref<60x128xi32, #tpu.memory_space<vmem>> -> memref<1x128xi32, #tpu.memory_space<vmem>>
      %dma_wait3A_213 = tpu.memref_squeeze %dma_wait3A_212 : memref<1x128xi32, #tpu.memory_space<vmem>> -> memref<128xi32, #tpu.memory_space<vmem>>
      %dma_wait3A_214 = arith.constant 0 : i32
      %dma_wait3A_215 = arith.constant 0 : i32
      %dma_wait3A_216 = tpu.memref_slice %arg7[%dma_wait3A_214, %dma_wait3A_215] : memref<10112x128xf32, #tpu.memory_space<vmem_shared>> -> memref<10112x128xf32, #tpu.memory_space<vmem_shared>>
      tpu.wait_indirect_dma semaphore(%arg14 : memref<!tpu.dma_semaphore, #tpu.memory_space<semaphore_mem>>) src(%dma_wait3A_210 : memref<128x128xf32, #tpu.memory_space<vmem>>) dst(%dma_wait3A_216 : memref<10112x128xf32, #tpu.memory_space<vmem_shared>>)
      %add3A_217 = arith.constant 3 : i32
      %add3A_218 = arith.addi %mul3A_131, %add3A_217 : i32
      %dma_start3A_219 = arith.constant 1 : i32
      %dma_start3A_220 = arith.constant 0 : i32
      %dma_start3A_221 = arith.constant 0 : i32
      %dma_start3A_222 = tpu.memref_slice %arg10[%dma_start3A_219, %dma_start3A_220, %dma_start3A_221] : memref<2x128x128xf32, #tpu.memory_space<vmem>> -> memref<1x128x128xf32, #tpu.memory_space<vmem>>
      %dma_start3A_223 = tpu.memref_squeeze %dma_start3A_222 : memref<1x128x128xf32, #tpu.memory_space<vmem>> -> memref<128x128xf32, #tpu.memory_space<vmem>>
      %dma_start3A_224 = arith.constant 0 : i32
      %dma_start3A_225 = tpu.memref_slice %arg8[%add3A_218, %dma_start3A_224] : memref<60x128xi32, #tpu.memory_space<vmem>> -> memref<1x128xi32, #tpu.memory_space<vmem>>
      %dma_start3A_226 = tpu.memref_squeeze %dma_start3A_225 : memref<1x128xi32, #tpu.memory_space<vmem>> -> memref<128xi32, #tpu.memory_space<vmem>>
      %dma_start3A_227 = arith.constant 0 : i32
      %dma_start3A_228 = arith.constant 0 : i32
      %dma_start3A_229 = tpu.memref_slice %arg2[%dma_start3A_227, %dma_start3A_228] : memref<10112x128xf32, #tpu.memory_space<hbm>> -> memref<10112x128xf32, #tpu.memory_space<hbm>>
      tpu.enqueue_indirect_dma source(%dma_start3A_229 : memref<10112x128xf32, #tpu.memory_space<hbm>>) target(%dma_start3A_223 : memref<128x128xf32, #tpu.memory_space<vmem>>) offsets(%dma_start3A_226 : memref<128xi32, #tpu.memory_space<vmem>>) semaphore(%arg12 : memref<!tpu.dma_semaphore, #tpu.memory_space<semaphore_mem>>)
    }
    %dma_wait3A = arith.constant 0 : i32
    %dma_wait3A_57 = arith.constant 0 : i32
    %dma_wait3A_58 = arith.constant 0 : i32
    %dma_wait3A_59 = arith.constant 0 : i32
    %dma_wait3A_60 = tpu.memref_slice %arg10[%dma_wait3A_57, %dma_wait3A_58, %dma_wait3A_59] : memref<2x128x128xf32, #tpu.memory_space<vmem>> -> memref<1x128x128xf32, #tpu.memory_space<vmem>>
    %dma_wait3A_61 = tpu.memref_squeeze %dma_wait3A_60 : memref<1x128x128xf32, #tpu.memory_space<vmem>> -> memref<128x128xf32, #tpu.memory_space<vmem>>
    %dma_wait3A_62 = arith.constant 0 : i32
    %dma_wait3A_63 = tpu.memref_slice %arg8[%dma_wait3A, %dma_wait3A_62] : memref<60x128xi32, #tpu.memory_space<vmem>> -> memref<1x128xi32, #tpu.memory_space<vmem>>
    %dma_wait3A_64 = tpu.memref_squeeze %dma_wait3A_63 : memref<1x128xi32, #tpu.memory_space<vmem>> -> memref<128xi32, #tpu.memory_space<vmem>>
    %dma_wait3A_65 = arith.constant 0 : i32
    %dma_wait3A_66 = arith.constant 0 : i32
    %dma_wait3A_67 = tpu.memref_slice %arg2[%dma_wait3A_65, %dma_wait3A_66] : memref<10112x128xf32, #tpu.memory_space<hbm>> -> memref<10112x128xf32, #tpu.memory_space<hbm>>
    tpu.wait_indirect_dma semaphore(%arg11 : memref<!tpu.dma_semaphore, #tpu.memory_space<semaphore_mem>>) src(%dma_wait3A_67 : memref<10112x128xf32, #tpu.memory_space<hbm>>) dst(%dma_wait3A_61 : memref<128x128xf32, #tpu.memory_space<vmem>>)
    %sub3A_68 = arith.constant 2 : i32
    %sub3A_69 = arith.subi %select_n3A, %sub3A_68 : i32
    %dma_start3A_70 = arith.constant 0 : i32
    %dma_start3A_71 = arith.constant 0 : i32
    %dma_start3A_72 = arith.constant 0 : i32
    %dma_start3A_73 = tpu.memref_slice %arg10[%dma_start3A_70, %dma_start3A_71, %dma_start3A_72] : memref<2x128x128xf32, #tpu.memory_space<vmem>> -> memref<1x128x128xf32, #tpu.memory_space<vmem>>
    %dma_start3A_74 = tpu.memref_squeeze %dma_start3A_73 : memref<1x128x128xf32, #tpu.memory_space<vmem>> -> memref<128x128xf32, #tpu.memory_space<vmem>>
    %dma_start3A_75 = arith.constant 0 : i32
    %dma_start3A_76 = tpu.memref_slice %arg9[%sub3A_69, %dma_start3A_75] : memref<60x128xi32, #tpu.memory_space<vmem>> -> memref<1x128xi32, #tpu.memory_space<vmem>>
    %dma_start3A_77 = tpu.memref_squeeze %dma_start3A_76 : memref<1x128xi32, #tpu.memory_space<vmem>> -> memref<128xi32, #tpu.memory_space<vmem>>
    %dma_start3A_78 = arith.constant 0 : i32
    %dma_start3A_79 = arith.constant 0 : i32
    %dma_start3A_80 = tpu.memref_slice %arg7[%dma_start3A_78, %dma_start3A_79] : memref<10112x128xf32, #tpu.memory_space<vmem_shared>> -> memref<10112x128xf32, #tpu.memory_space<vmem_shared>>
    tpu.enqueue_indirect_dma source(%dma_start3A_74 : memref<128x128xf32, #tpu.memory_space<vmem>>) target(%dma_start3A_80 : memref<10112x128xf32, #tpu.memory_space<vmem_shared>>) offsets(%dma_start3A_77 : memref<128xi32, #tpu.memory_space<vmem>>) semaphore(%arg13 : memref<!tpu.dma_semaphore, #tpu.memory_space<semaphore_mem>>) {add = true}
    %dma_wait3A_81 = arith.constant 0 : i32
    %dma_wait3A_82 = arith.constant 1 : i32
    %dma_wait3A_83 = arith.constant 0 : i32
    %dma_wait3A_84 = arith.constant 0 : i32
    %dma_wait3A_85 = tpu.memref_slice %arg10[%dma_wait3A_82, %dma_wait3A_83, %dma_wait3A_84] : memref<2x128x128xf32, #tpu.memory_space<vmem>> -> memref<1x128x128xf32, #tpu.memory_space<vmem>>
    %dma_wait3A_86 = tpu.memref_squeeze %dma_wait3A_85 : memref<1x128x128xf32, #tpu.memory_space<vmem>> -> memref<128x128xf32, #tpu.memory_space<vmem>>
    %dma_wait3A_87 = arith.constant 0 : i32
    %dma_wait3A_88 = tpu.memref_slice %arg8[%dma_wait3A_81, %dma_wait3A_87] : memref<60x128xi32, #tpu.memory_space<vmem>> -> memref<1x128xi32, #tpu.memory_space<vmem>>
    %dma_wait3A_89 = tpu.memref_squeeze %dma_wait3A_88 : memref<1x128xi32, #tpu.memory_space<vmem>> -> memref<128xi32, #tpu.memory_space<vmem>>
    %dma_wait3A_90 = arith.constant 0 : i32
    %dma_wait3A_91 = arith.constant 0 : i32
    %dma_wait3A_92 = tpu.memref_slice %arg2[%dma_wait3A_90, %dma_wait3A_91] : memref<10112x128xf32, #tpu.memory_space<hbm>> -> memref<10112x128xf32, #tpu.memory_space<hbm>>
    tpu.wait_indirect_dma semaphore(%arg12 : memref<!tpu.dma_semaphore, #tpu.memory_space<semaphore_mem>>) src(%dma_wait3A_92 : memref<10112x128xf32, #tpu.memory_space<hbm>>) dst(%dma_wait3A_86 : memref<128x128xf32, #tpu.memory_space<vmem>>)
    %sub3A_93 = arith.constant 1 : i32
    %sub3A_94 = arith.subi %select_n3A, %sub3A_93 : i32
    %dma_start3A_95 = arith.constant 1 : i32
    %dma_start3A_96 = arith.constant 0 : i32
    %dma_start3A_97 = arith.constant 0 : i32
    %dma_start3A_98 = tpu.memref_slice %arg10[%dma_start3A_95, %dma_start3A_96, %dma_start3A_97] : memref<2x128x128xf32, #tpu.memory_space<vmem>> -> memref<1x128x128xf32, #tpu.memory_space<vmem>>
    %dma_start3A_99 = tpu.memref_squeeze %dma_start3A_98 : memref<1x128x128xf32, #tpu.memory_space<vmem>> -> memref<128x128xf32, #tpu.memory_space<vmem>>
    %dma_start3A_100 = arith.constant 0 : i32
    %dma_start3A_101 = tpu.memref_slice %arg9[%sub3A_94, %dma_start3A_100] : memref<60x128xi32, #tpu.memory_space<vmem>> -> memref<1x128xi32, #tpu.memory_space<vmem>>
    %dma_start3A_102 = tpu.memref_squeeze %dma_start3A_101 : memref<1x128xi32, #tpu.memory_space<vmem>> -> memref<128xi32, #tpu.memory_space<vmem>>
    %dma_start3A_103 = arith.constant 0 : i32
    %dma_start3A_104 = arith.constant 0 : i32
    %dma_start3A_105 = tpu.memref_slice %arg7[%dma_start3A_103, %dma_start3A_104] : memref<10112x128xf32, #tpu.memory_space<vmem_shared>> -> memref<10112x128xf32, #tpu.memory_space<vmem_shared>>
    tpu.enqueue_indirect_dma source(%dma_start3A_99 : memref<128x128xf32, #tpu.memory_space<vmem>>) target(%dma_start3A_105 : memref<10112x128xf32, #tpu.memory_space<vmem_shared>>) offsets(%dma_start3A_102 : memref<128xi32, #tpu.memory_space<vmem>>) semaphore(%arg14 : memref<!tpu.dma_semaphore, #tpu.memory_space<semaphore_mem>>) {add = true}
    %dma_wait3A_106 = arith.constant 0 : i32
    %dma_wait3A_107 = arith.constant 0 : i32
    %dma_wait3A_108 = arith.constant 0 : i32
    %dma_wait3A_109 = tpu.memref_slice %arg10[%dma_wait3A_106, %dma_wait3A_107, %dma_wait3A_108] : memref<2x128x128xf32, #tpu.memory_space<vmem>> -> memref<1x128x128xf32, #tpu.memory_space<vmem>>
    %dma_wait3A_110 = tpu.memref_squeeze %dma_wait3A_109 : memref<1x128x128xf32, #tpu.memory_space<vmem>> -> memref<128x128xf32, #tpu.memory_space<vmem>>
    %dma_wait3A_111 = arith.constant 0 : i32
    %dma_wait3A_112 = tpu.memref_slice %arg9[%sub3A_69, %dma_wait3A_111] : memref<60x128xi32, #tpu.memory_space<vmem>> -> memref<1x128xi32, #tpu.memory_space<vmem>>
    %dma_wait3A_113 = tpu.memref_squeeze %dma_wait3A_112 : memref<1x128xi32, #tpu.memory_space<vmem>> -> memref<128xi32, #tpu.memory_space<vmem>>
    %dma_wait3A_114 = arith.constant 0 : i32
    %dma_wait3A_115 = arith.constant 0 : i32
    %dma_wait3A_116 = tpu.memref_slice %arg7[%dma_wait3A_114, %dma_wait3A_115] : memref<10112x128xf32, #tpu.memory_space<vmem_shared>> -> memref<10112x128xf32, #tpu.memory_space<vmem_shared>>
    tpu.wait_indirect_dma semaphore(%arg13 : memref<!tpu.dma_semaphore, #tpu.memory_space<semaphore_mem>>) src(%dma_wait3A_110 : memref<128x128xf32, #tpu.memory_space<vmem>>) dst(%dma_wait3A_116 : memref<10112x128xf32, #tpu.memory_space<vmem_shared>>)
    %dma_wait3A_117 = arith.constant 1 : i32
    %dma_wait3A_118 = arith.constant 0 : i32
    %dma_wait3A_119 = arith.constant 0 : i32
    %dma_wait3A_120 = tpu.memref_slice %arg10[%dma_wait3A_117, %dma_wait3A_118, %dma_wait3A_119] : memref<2x128x128xf32, #tpu.memory_space<vmem>> -> memref<1x128x128xf32, #tpu.memory_space<vmem>>
    %dma_wait3A_121 = tpu.memref_squeeze %dma_wait3A_120 : memref<1x128x128xf32, #tpu.memory_space<vmem>> -> memref<128x128xf32, #tpu.memory_space<vmem>>
    %dma_wait3A_122 = arith.constant 0 : i32
    %dma_wait3A_123 = tpu.memref_slice %arg9[%sub3A_94, %dma_wait3A_122] : memref<60x128xi32, #tpu.memory_space<vmem>> -> memref<1x128xi32, #tpu.memory_space<vmem>>
    %dma_wait3A_124 = tpu.memref_squeeze %dma_wait3A_123 : memref<1x128xi32, #tpu.memory_space<vmem>> -> memref<128xi32, #tpu.memory_space<vmem>>
    %dma_wait3A_125 = arith.constant 0 : i32
    %dma_wait3A_126 = arith.constant 0 : i32
    %dma_wait3A_127 = tpu.memref_slice %arg7[%dma_wait3A_125, %dma_wait3A_126] : memref<10112x128xf32, #tpu.memory_space<vmem_shared>> -> memref<10112x128xf32, #tpu.memory_space<vmem_shared>>
    tpu.wait_indirect_dma semaphore(%arg14 : memref<!tpu.dma_semaphore, #tpu.memory_space<semaphore_mem>>) src(%dma_wait3A_121 : memref<128x128xf32, #tpu.memory_space<vmem>>) dst(%dma_wait3A_127 : memref<10112x128xf32, #tpu.memory_space<vmem_shared>>)
    %barrier3A_128 = arith.constant 0 : index
    tpu.barrier barrier_id(%barrier3A_128)
    "tpu.region"() ({
      %run_scoped3A = tpu.sem_alloc : memref<!tpu.dma_semaphore, #tpu.memory_space<semaphore_mem>>
      %dma_start3A_129 = arith.constant 0 : i32
      %dma_start3A_130 = tpu.memref_slice %arg6[%arg0, %mul3A_4, %dma_start3A_129] : memref<2x10112x128xf32, #tpu.memory_space<hbm>> -> memref<1x632x128xf32, #tpu.memory_space<hbm>>
      %dma_start3A_131 = tpu.memref_squeeze %dma_start3A_130 : memref<1x632x128xf32, #tpu.memory_space<hbm>> -> memref<632x128xf32, #tpu.memory_space<hbm>>
      %dma_start3A_132 = arith.constant 0 : i32
      %dma_start3A_133 = tpu.memref_slice %arg7[%mul3A_4, %dma_start3A_132] : memref<10112x128xf32, #tpu.memory_space<vmem_shared>> -> memref<632x128xf32, #tpu.memory_space<vmem_shared>>
      tpu.enqueue_dma source(%dma_start3A_133 : memref<632x128xf32, #tpu.memory_space<vmem_shared>>) target(%dma_start3A_131 : memref<632x128xf32, #tpu.memory_space<hbm>>) target_semaphore(%run_scoped3A : memref<!tpu.dma_semaphore, #tpu.memory_space<semaphore_mem>>)
      %dma_wait3A_134 = arith.constant 0 : i32
      %dma_wait3A_135 = tpu.memref_slice %arg6[%arg0, %mul3A_4, %dma_wait3A_134] : memref<2x10112x128xf32, #tpu.memory_space<hbm>> -> memref<1x632x128xf32, #tpu.memory_space<hbm>>
      %dma_wait3A_136 = tpu.memref_squeeze %dma_wait3A_135 : memref<1x632x128xf32, #tpu.memory_space<hbm>> -> memref<632x128xf32, #tpu.memory_space<hbm>>
      %dma_wait3A_137 = arith.constant 0 : i32
      %dma_wait3A_138 = tpu.memref_slice %arg7[%mul3A_4, %dma_wait3A_137] : memref<10112x128xf32, #tpu.memory_space<vmem_shared>> -> memref<632x128xf32, #tpu.memory_space<vmem_shared>>
      tpu.wait_dma2 semaphore(%run_scoped3A : memref<!tpu.dma_semaphore, #tpu.memory_space<semaphore_mem>>) src(%dma_wait3A_138 : memref<632x128xf32, #tpu.memory_space<vmem_shared>>) dst(%dma_wait3A_136 : memref<632x128xf32, #tpu.memory_space<hbm>>)
      tpu.yield
    }) : () -> ()
    return
  }
}

#map = affine_map<(d0, d1) -> (0, 0, 0)>
#map1 = affine_map<(d0, d1) -> (0, 0)>
module attributes {stable_mosaic.version = 14 : i64} {
  func.func @body(%arg0: i32, %arg1: i32, %arg2: memref<32x40x128xi32, #tpu.memory_space<hbm>>, %arg3: memref<632x128xf32, #tpu.memory_space<hbm>>, %arg4: memref<128x128xf32, #tpu.memory_space<hbm>>, %arg5: memref<2x10112x128xf32, #tpu.memory_space<hbm>>, %arg6: memref<10112x128xf32, #tpu.memory_space<vmem_shared>>, %arg7: memref<40x128xi32, #tpu.memory_space<vmem>>, %arg8: memref<128x128xf32, #tpu.memory_space<vmem>>) attributes {dimension_semantics = [#tpu.dimension_semantics<core_parallel>, #tpu.dimension_semantics<subcore_parallel>], iteration_bounds = array<i64: 2, 16>, scalar_prefetch = 0 : i64, scratch_operands = 3 : i64, tpu.core_type = #tpu.core_type<sc_vector_subcore>, window_params = [{transform_indices = #map}, {transform_indices = #map1}, {transform_indices = #map1}, {transform_indices = #map}]} {
    %mul3A = arith.constant 2 : i32
    %mul3A_0 = arith.muli %arg1, %mul3A : i32
    %add3A = arith.addi %mul3A_0, %arg0 : i32
    %mul3A_1 = arith.constant 632 : i32
    %mul3A_2 = arith.muli %arg1, %mul3A_1 : i32
    "tpu.region"() ({
      %run_scoped3A = tpu.sem_alloc : memref<!tpu.dma_semaphore, #tpu.memory_space<semaphore_mem>>
      %dma_start3A = arith.constant 0 : i32
      %dma_start3A_9 = arith.constant 0 : i32
      %dma_start3A_10 = tpu.memref_slice %arg2[%add3A, %dma_start3A, %dma_start3A_9] : memref<32x40x128xi32, #tpu.memory_space<hbm>> -> memref<1x40x128xi32, #tpu.memory_space<hbm>>
      %dma_start3A_11 = tpu.memref_squeeze %dma_start3A_10 : memref<1x40x128xi32, #tpu.memory_space<hbm>> -> memref<40x128xi32, #tpu.memory_space<hbm>>
      %dma_start3A_12 = arith.constant 0 : i32
      %dma_start3A_13 = arith.constant 0 : i32
      %dma_start3A_14 = tpu.memref_slice %arg2[%add3A, %dma_start3A_12, %dma_start3A_13] : memref<32x40x128xi32, #tpu.memory_space<hbm>> -> memref<1x40x128xi32, #tpu.memory_space<hbm>>
      %dma_start3A_15 = tpu.memref_squeeze %dma_start3A_14 : memref<1x40x128xi32, #tpu.memory_space<hbm>> -> memref<40x128xi32, #tpu.memory_space<hbm>>
      tpu.enqueue_dma source(%dma_start3A_15 : memref<40x128xi32, #tpu.memory_space<hbm>>) target(%arg7 : memref<40x128xi32, #tpu.memory_space<vmem>>) target_semaphore(%run_scoped3A : memref<!tpu.dma_semaphore, #tpu.memory_space<semaphore_mem>>)
      %dma_wait3A = arith.constant 0 : i32
      %dma_wait3A_16 = arith.constant 0 : i32
      %dma_wait3A_17 = tpu.memref_slice %arg2[%add3A, %dma_wait3A, %dma_wait3A_16] : memref<32x40x128xi32, #tpu.memory_space<hbm>> -> memref<1x40x128xi32, #tpu.memory_space<hbm>>
      %dma_wait3A_18 = tpu.memref_squeeze %dma_wait3A_17 : memref<1x40x128xi32, #tpu.memory_space<hbm>> -> memref<40x128xi32, #tpu.memory_space<hbm>>
      %dma_wait3A_19 = arith.constant 0 : i32
      %dma_wait3A_20 = arith.constant 0 : i32
      %dma_wait3A_21 = tpu.memref_slice %arg2[%add3A, %dma_wait3A_19, %dma_wait3A_20] : memref<32x40x128xi32, #tpu.memory_space<hbm>> -> memref<1x40x128xi32, #tpu.memory_space<hbm>>
      %dma_wait3A_22 = tpu.memref_squeeze %dma_wait3A_21 : memref<1x40x128xi32, #tpu.memory_space<hbm>> -> memref<40x128xi32, #tpu.memory_space<hbm>>
      tpu.wait_dma2 semaphore(%run_scoped3A : memref<!tpu.dma_semaphore, #tpu.memory_space<semaphore_mem>>) src(%dma_wait3A_22 : memref<40x128xi32, #tpu.memory_space<hbm>>) dst(%arg7 : memref<40x128xi32, #tpu.memory_space<vmem>>)
      tpu.yield
    }) : () -> ()
    "tpu.region"() ({
      %run_scoped3A = tpu.sem_alloc : memref<!tpu.dma_semaphore, #tpu.memory_space<semaphore_mem>>
      tpu.enqueue_dma source(%arg4 : memref<128x128xf32, #tpu.memory_space<hbm>>) target(%arg8 : memref<128x128xf32, #tpu.memory_space<vmem>>) target_semaphore(%run_scoped3A : memref<!tpu.dma_semaphore, #tpu.memory_space<semaphore_mem>>)
      tpu.wait_dma2 semaphore(%run_scoped3A : memref<!tpu.dma_semaphore, #tpu.memory_space<semaphore_mem>>) src(%arg4 : memref<128x128xf32, #tpu.memory_space<hbm>>) dst(%arg8 : memref<128x128xf32, #tpu.memory_space<vmem>>)
      tpu.yield
    }) : () -> ()
    "tpu.region"() ({
      %run_scoped3A = tpu.sem_alloc : memref<!tpu.dma_semaphore, #tpu.memory_space<semaphore_mem>>
      %dma_start3A = arith.constant 0 : i32
      %dma_start3A_9 = tpu.memref_slice %arg6[%mul3A_2, %dma_start3A] : memref<10112x128xf32, #tpu.memory_space<vmem_shared>> -> memref<632x128xf32, #tpu.memory_space<vmem_shared>>
      tpu.enqueue_dma source(%arg3 : memref<632x128xf32, #tpu.memory_space<hbm>>) target(%dma_start3A_9 : memref<632x128xf32, #tpu.memory_space<vmem_shared>>) target_semaphore(%run_scoped3A : memref<!tpu.dma_semaphore, #tpu.memory_space<semaphore_mem>>)
      %dma_wait3A = arith.constant 0 : i32
      %dma_wait3A_10 = tpu.memref_slice %arg6[%mul3A_2, %dma_wait3A] : memref<10112x128xf32, #tpu.memory_space<vmem_shared>> -> memref<632x128xf32, #tpu.memory_space<vmem_shared>>
      tpu.wait_dma2 semaphore(%run_scoped3A : memref<!tpu.dma_semaphore, #tpu.memory_space<semaphore_mem>>) src(%arg3 : memref<632x128xf32, #tpu.memory_space<hbm>>) dst(%dma_wait3A_10 : memref<632x128xf32, #tpu.memory_space<vmem_shared>>)
      tpu.yield
    }) : () -> ()
    %barrier3A = arith.constant 0 : index
    tpu.barrier barrier_id(%barrier3A)
    %scan3A = arith.constant 0 : i32
    %scan3A_3 = arith.constant 0 : i32
    %scan3A_4 = arith.constant 40 : i32
    %scan3A_5 = arith.addi %scan3A_3, %scan3A_4 : i32
    %scan3A_6 = arith.constant 1 : i32
    scf.for %scan3A_9 = %scan3A_3 to %scan3A_5 step %scan3A_6  : i32 {
      "tpu.region"() ({
        %run_scoped3A = tpu.sem_alloc : memref<!tpu.dma_semaphore, #tpu.memory_space<semaphore_mem>>
        %dma_start3A = arith.constant 0 : i32
        %dma_start3A_10 = tpu.memref_slice %arg7[%scan3A_9, %dma_start3A] : memref<40x128xi32, #tpu.memory_space<vmem>> -> memref<1x128xi32, #tpu.memory_space<vmem>>
        %dma_start3A_11 = tpu.memref_squeeze %dma_start3A_10 : memref<1x128xi32, #tpu.memory_space<vmem>> -> memref<128xi32, #tpu.memory_space<vmem>>
        %dma_start3A_12 = arith.constant 0 : i32
        %dma_start3A_13 = arith.constant 0 : i32
        %dma_start3A_14 = tpu.memref_slice %arg6[%dma_start3A_12, %dma_start3A_13] : memref<10112x128xf32, #tpu.memory_space<vmem_shared>> -> memref<10112x128xf32, #tpu.memory_space<vmem_shared>>
        tpu.enqueue_indirect_dma source(%arg8 : memref<128x128xf32, #tpu.memory_space<vmem>>) target(%dma_start3A_14 : memref<10112x128xf32, #tpu.memory_space<vmem_shared>>) offsets(%dma_start3A_11 : memref<128xi32, #tpu.memory_space<vmem>>) semaphore(%run_scoped3A : memref<!tpu.dma_semaphore, #tpu.memory_space<semaphore_mem>>) {add = true}
        %dma_wait3A = arith.constant 0 : i32
        %dma_wait3A_15 = tpu.memref_slice %arg7[%scan3A_9, %dma_wait3A] : memref<40x128xi32, #tpu.memory_space<vmem>> -> memref<1x128xi32, #tpu.memory_space<vmem>>
        %dma_wait3A_16 = tpu.memref_squeeze %dma_wait3A_15 : memref<1x128xi32, #tpu.memory_space<vmem>> -> memref<128xi32, #tpu.memory_space<vmem>>
        %dma_wait3A_17 = arith.constant 0 : i32
        %dma_wait3A_18 = arith.constant 0 : i32
        %dma_wait3A_19 = tpu.memref_slice %arg6[%dma_wait3A_17, %dma_wait3A_18] : memref<10112x128xf32, #tpu.memory_space<vmem_shared>> -> memref<10112x128xf32, #tpu.memory_space<vmem_shared>>
        tpu.wait_indirect_dma semaphore(%run_scoped3A : memref<!tpu.dma_semaphore, #tpu.memory_space<semaphore_mem>>) src(%arg8 : memref<128x128xf32, #tpu.memory_space<vmem>>) dst(%dma_wait3A_19 : memref<10112x128xf32, #tpu.memory_space<vmem_shared>>)
        tpu.yield
      }) : () -> ()
    }
    %scan3A_7 = arith.constant 40 : i32
    %barrier3A_8 = arith.constant 0 : index
    tpu.barrier barrier_id(%barrier3A_8)
    "tpu.region"() ({
      %run_scoped3A = tpu.sem_alloc : memref<!tpu.dma_semaphore, #tpu.memory_space<semaphore_mem>>
      %dma_start3A = arith.constant 0 : i32
      %dma_start3A_9 = tpu.memref_slice %arg5[%arg0, %mul3A_2, %dma_start3A] : memref<2x10112x128xf32, #tpu.memory_space<hbm>> -> memref<1x632x128xf32, #tpu.memory_space<hbm>>
      %dma_start3A_10 = tpu.memref_squeeze %dma_start3A_9 : memref<1x632x128xf32, #tpu.memory_space<hbm>> -> memref<632x128xf32, #tpu.memory_space<hbm>>
      %dma_start3A_11 = arith.constant 0 : i32
      %dma_start3A_12 = tpu.memref_slice %arg6[%mul3A_2, %dma_start3A_11] : memref<10112x128xf32, #tpu.memory_space<vmem_shared>> -> memref<632x128xf32, #tpu.memory_space<vmem_shared>>
      tpu.enqueue_dma source(%dma_start3A_12 : memref<632x128xf32, #tpu.memory_space<vmem_shared>>) target(%dma_start3A_10 : memref<632x128xf32, #tpu.memory_space<hbm>>) target_semaphore(%run_scoped3A : memref<!tpu.dma_semaphore, #tpu.memory_space<semaphore_mem>>)
      %dma_wait3A = arith.constant 0 : i32
      %dma_wait3A_13 = tpu.memref_slice %arg5[%arg0, %mul3A_2, %dma_wait3A] : memref<2x10112x128xf32, #tpu.memory_space<hbm>> -> memref<1x632x128xf32, #tpu.memory_space<hbm>>
      %dma_wait3A_14 = tpu.memref_squeeze %dma_wait3A_13 : memref<1x632x128xf32, #tpu.memory_space<hbm>> -> memref<632x128xf32, #tpu.memory_space<hbm>>
      %dma_wait3A_15 = arith.constant 0 : i32
      %dma_wait3A_16 = tpu.memref_slice %arg6[%mul3A_2, %dma_wait3A_15] : memref<10112x128xf32, #tpu.memory_space<vmem_shared>> -> memref<632x128xf32, #tpu.memory_space<vmem_shared>>
      tpu.wait_dma2 semaphore(%run_scoped3A : memref<!tpu.dma_semaphore, #tpu.memory_space<semaphore_mem>>) src(%dma_wait3A_16 : memref<632x128xf32, #tpu.memory_space<vmem_shared>>) dst(%dma_wait3A_14 : memref<632x128xf32, #tpu.memory_space<hbm>>)
      tpu.yield
    }) : () -> ()
    return
  }
}

#map = affine_map<(d0, d1) -> (0, 0)>
#map1 = affine_map<(d0, d1) -> (0, 0, 0)>
module attributes {stable_mosaic.version = 14 : i64} {
  func.func @body(%arg0: i32, %arg1: i32, %arg2: memref<10112x128xf32, #tpu.memory_space<hbm>>, %arg3: memref<32x60x128xi32, #tpu.memory_space<hbm>>, %arg4: memref<32x60x128xi32, #tpu.memory_space<hbm>>, %arg5: memref<632x128xf32, #tpu.memory_space<hbm>>, %arg6: memref<2x10112x128xf32, #tpu.memory_space<hbm>>, %arg7: memref<10112x128xf32, #tpu.memory_space<vmem_shared>>, %arg8: memref<60x128xi32, #tpu.memory_space<vmem>>, %arg9: memref<60x128xi32, #tpu.memory_space<vmem>>, %arg10: memref<2x128x128xf32, #tpu.memory_space<vmem>>, %arg11: memref<!tpu.dma_semaphore, #tpu.memory_space<semaphore_mem>>, %arg12: memref<!tpu.dma_semaphore, #tpu.memory_space<semaphore_mem>>, %arg13: memref<!tpu.dma_semaphore, #tpu.memory_space<semaphore_mem>>, %arg14: memref<!tpu.dma_semaphore, #tpu.memory_space<semaphore_mem>>) attributes {dimension_semantics = [#tpu.dimension_semantics<core_parallel>, #tpu.dimension_semantics<subcore_parallel>], iteration_bounds = array<i64: 2, 16>, scalar_prefetch = 0 : i64, scratch_operands = 8 : i64, tpu.core_type = #tpu.core_type<sc_vector_subcore>, window_params = [{transform_indices = #map}, {transform_indices = #map1}, {transform_indices = #map1}, {transform_indices = #map}, {transform_indices = #map1}]} {
    %mul3A = arith.constant 16 : i32
    %mul3A_0 = arith.muli %arg0, %mul3A : i32
    %add3A = arith.addi %mul3A_0, %arg1 : i32
    %eq3A = arith.constant 0 : i32
    %eq3A_1 = arith.cmpi eq, %arg0, %eq3A : i32
    %jit3A = arith.constant 60 : i32
    %jit3A_2 = arith.constant 20 : i32
    %select_n3A = arith.select %eq3A_1, %jit3A, %jit3A_2 : i32
    %mul3A_3 = arith.constant 632 : i32
    %mul3A_4 = arith.muli %arg1, %mul3A_3 : i32
    "tpu.region"() ({
      %run_scoped3A = tpu.sem_alloc : memref<!tpu.dma_semaphore, #tpu.memory_space<semaphore_mem>>
      %dma_start3A_129 = arith.constant 0 : i32
      %dma_start3A_130 = arith.constant 0 : i32
      %dma_start3A_131 = tpu.memref_slice %arg3[%add3A, %dma_start3A_129, %dma_start3A_130] : memref<32x60x128xi32, #tpu.memory_space<hbm>> -> memref<1x60x128xi32, #tpu.memory_space<hbm>>
      %dma_start3A_132 = tpu.memref_squeeze %dma_start3A_131 : memref<1x60x128xi32, #tpu.memory_space<hbm>> -> memref<60x128xi32, #tpu.memory_space<hbm>>
      %dma_start3A_133 = arith.constant 0 : i32
      %dma_start3A_134 = arith.constant 0 : i32
      %dma_start3A_135 = tpu.memref_slice %arg3[%add3A, %dma_start3A_133, %dma_start3A_134] : memref<32x60x128xi32, #tpu.memory_space<hbm>> -> memref<1x60x128xi32, #tpu.memory_space<hbm>>
      %dma_start3A_136 = tpu.memref_squeeze %dma_start3A_135 : memref<1x60x128xi32, #tpu.memory_space<hbm>> -> memref<60x128xi32, #tpu.memory_space<hbm>>
      tpu.enqueue_dma source(%dma_start3A_136 : memref<60x128xi32, #tpu.memory_space<hbm>>) target(%arg8 : memref<60x128xi32, #tpu.memory_space<vmem>>) target_semaphore(%run_scoped3A : memref<!tpu.dma_semaphore, #tpu.memory_space<semaphore_mem>>)
      %dma_wait3A_137 = arith.constant 0 : i32
      %dma_wait3A_138 = arith.constant 0 : i32
      %dma_wait3A_139 = tpu.memref_slice %arg3[%add3A, %dma_wait3A_137, %dma_wait3A_138] : memref<32x60x128xi32, #tpu.memory_space<hbm>> -> memref<1x60x128xi32, #tpu.memory_space<hbm>>
      %dma_wait3A_140 = tpu.memref_squeeze %dma_wait3A_139 : memref<1x60x128xi32, #tpu.memory_space<hbm>> -> memref<60x128xi32, #tpu.memory_space<hbm>>
      %dma_wait3A_141 = arith.constant 0 : i32
      %dma_wait3A_142 = arith.constant 0 : i32
      %dma_wait3A_143 = tpu.memref_slice %arg3[%add3A, %dma_wait3A_141, %dma_wait3A_142] : memref<32x60x128xi32, #tpu.memory_space<hbm>> -> memref<1x60x128xi32, #tpu.memory_space<hbm>>
      %dma_wait3A_144 = tpu.memref_squeeze %dma_wait3A_143 : memref<1x60x128xi32, #tpu.memory_space<hbm>> -> memref<60x128xi32, #tpu.memory_space<hbm>>
      tpu.wait_dma2 semaphore(%run_scoped3A : memref<!tpu.dma_semaphore, #tpu.memory_space<semaphore_mem>>) src(%dma_wait3A_144 : memref<60x128xi32, #tpu.memory_space<hbm>>) dst(%arg8 : memref<60x128xi32, #tpu.memory_space<vmem>>)
      tpu.yield
    }) : () -> ()
    "tpu.region"() ({
      %run_scoped3A = tpu.sem_alloc : memref<!tpu.dma_semaphore, #tpu.memory_space<semaphore_mem>>
      %dma_start3A_129 = arith.constant 0 : i32
      %dma_start3A_130 = arith.constant 0 : i32
      %dma_start3A_131 = tpu.memref_slice %arg4[%add3A, %dma_start3A_129, %dma_start3A_130] : memref<32x60x128xi32, #tpu.memory_space<hbm>> -> memref<1x60x128xi32, #tpu.memory_space<hbm>>
      %dma_start3A_132 = tpu.memref_squeeze %dma_start3A_131 : memref<1x60x128xi32, #tpu.memory_space<hbm>> -> memref<60x128xi32, #tpu.memory_space<hbm>>
      %dma_start3A_133 = arith.constant 0 : i32
      %dma_start3A_134 = arith.constant 0 : i32
      %dma_start3A_135 = tpu.memref_slice %arg4[%add3A, %dma_start3A_133, %dma_start3A_134] : memref<32x60x128xi32, #tpu.memory_space<hbm>> -> memref<1x60x128xi32, #tpu.memory_space<hbm>>
      %dma_start3A_136 = tpu.memref_squeeze %dma_start3A_135 : memref<1x60x128xi32, #tpu.memory_space<hbm>> -> memref<60x128xi32, #tpu.memory_space<hbm>>
      tpu.enqueue_dma source(%dma_start3A_136 : memref<60x128xi32, #tpu.memory_space<hbm>>) target(%arg9 : memref<60x128xi32, #tpu.memory_space<vmem>>) target_semaphore(%run_scoped3A : memref<!tpu.dma_semaphore, #tpu.memory_space<semaphore_mem>>)
      %dma_wait3A_137 = arith.constant 0 : i32
      %dma_wait3A_138 = arith.constant 0 : i32
      %dma_wait3A_139 = tpu.memref_slice %arg4[%add3A, %dma_wait3A_137, %dma_wait3A_138] : memref<32x60x128xi32, #tpu.memory_space<hbm>> -> memref<1x60x128xi32, #tpu.memory_space<hbm>>
      %dma_wait3A_140 = tpu.memref_squeeze %dma_wait3A_139 : memref<1x60x128xi32, #tpu.memory_space<hbm>> -> memref<60x128xi32, #tpu.memory_space<hbm>>
      %dma_wait3A_141 = arith.constant 0 : i32
      %dma_wait3A_142 = arith.constant 0 : i32
      %dma_wait3A_143 = tpu.memref_slice %arg4[%add3A, %dma_wait3A_141, %dma_wait3A_142] : memref<32x60x128xi32, #tpu.memory_space<hbm>> -> memref<1x60x128xi32, #tpu.memory_space<hbm>>
      %dma_wait3A_144 = tpu.memref_squeeze %dma_wait3A_143 : memref<1x60x128xi32, #tpu.memory_space<hbm>> -> memref<60x128xi32, #tpu.memory_space<hbm>>
      tpu.wait_dma2 semaphore(%run_scoped3A : memref<!tpu.dma_semaphore, #tpu.memory_space<semaphore_mem>>) src(%dma_wait3A_144 : memref<60x128xi32, #tpu.memory_space<hbm>>) dst(%arg9 : memref<60x128xi32, #tpu.memory_space<vmem>>)
      tpu.yield
    }) : () -> ()
    "tpu.region"() ({
      %run_scoped3A = tpu.sem_alloc : memref<!tpu.dma_semaphore, #tpu.memory_space<semaphore_mem>>
      %dma_start3A_129 = arith.constant 0 : i32
      %dma_start3A_130 = tpu.memref_slice %arg7[%mul3A_4, %dma_start3A_129] : memref<10112x128xf32, #tpu.memory_space<vmem_shared>> -> memref<632x128xf32, #tpu.memory_space<vmem_shared>>
      tpu.enqueue_dma source(%arg5 : memref<632x128xf32, #tpu.memory_space<hbm>>) target(%dma_start3A_130 : memref<632x128xf32, #tpu.memory_space<vmem_shared>>) target_semaphore(%run_scoped3A : memref<!tpu.dma_semaphore, #tpu.memory_space<semaphore_mem>>)
      %dma_wait3A_131 = arith.constant 0 : i32
      %dma_wait3A_132 = tpu.memref_slice %arg7[%mul3A_4, %dma_wait3A_131] : memref<10112x128xf32, #tpu.memory_space<vmem_shared>> -> memref<632x128xf32, #tpu.memory_space<vmem_shared>>
      tpu.wait_dma2 semaphore(%run_scoped3A : memref<!tpu.dma_semaphore, #tpu.memory_space<semaphore_mem>>) src(%arg5 : memref<632x128xf32, #tpu.memory_space<hbm>>) dst(%dma_wait3A_132 : memref<632x128xf32, #tpu.memory_space<vmem_shared>>)
      tpu.yield
    }) : () -> ()
    %barrier3A = arith.constant 0 : index
    tpu.barrier barrier_id(%barrier3A)
    %dma_start3A = arith.constant 0 : i32
    %dma_start3A_5 = arith.constant 0 : i32
    %dma_start3A_6 = arith.constant 0 : i32
    %dma_start3A_7 = arith.constant 0 : i32
    %dma_start3A_8 = tpu.memref_slice %arg10[%dma_start3A_5, %dma_start3A_6, %dma_start3A_7] : memref<2x128x128xf32, #tpu.memory_space<vmem>> -> memref<1x128x128xf32, #tpu.memory_space<vmem>>
    %dma_start3A_9 = tpu.memref_squeeze %dma_start3A_8 : memref<1x128x128xf32, #tpu.memory_space<vmem>> -> memref<128x128xf32, #tpu.memory_space<vmem>>
    %dma_start3A_10 = arith.constant 0 : i32
    %dma_start3A_11 = tpu.memref_slice %arg8[%dma_start3A, %dma_start3A_10] : memref<60x128xi32, #tpu.memory_space<vmem>> -> memref<1x128xi32, #tpu.memory_space<vmem>>
    %dma_start3A_12 = tpu.memref_squeeze %dma_start3A_11 : memref<1x128xi32, #tpu.memory_space<vmem>> -> memref<128xi32, #tpu.memory_space<vmem>>
    %dma_start3A_13 = arith.constant 0 : i32
    %dma_start3A_14 = arith.constant 0 : i32
    %dma_start3A_15 = tpu.memref_slice %arg2[%dma_start3A_13, %dma_start3A_14] : memref<10112x128xf32, #tpu.memory_space<hbm>> -> memref<10112x128xf32, #tpu.memory_space<hbm>>
    tpu.enqueue_indirect_dma source(%dma_start3A_15 : memref<10112x128xf32, #tpu.memory_space<hbm>>) target(%dma_start3A_9 : memref<128x128xf32, #tpu.memory_space<vmem>>) offsets(%dma_start3A_12 : memref<128xi32, #tpu.memory_space<vmem>>) semaphore(%arg11 : memref<!tpu.dma_semaphore, #tpu.memory_space<semaphore_mem>>)
    %dma_start3A_16 = arith.constant 1 : i32
    %dma_start3A_17 = arith.constant 1 : i32
    %dma_start3A_18 = arith.constant 0 : i32
    %dma_start3A_19 = arith.constant 0 : i32
    %dma_start3A_20 = tpu.memref_slice %arg10[%dma_start3A_17, %dma_start3A_18, %dma_start3A_19] : memref<2x128x128xf32, #tpu.memory_space<vmem>> -> memref<1x128x128xf32, #tpu.memory_space<vmem>>
    %dma_start3A_21 = tpu.memref_squeeze %dma_start3A_20 : memref<1x128x128xf32, #tpu.memory_space<vmem>> -> memref<128x128xf32, #tpu.memory_space<vmem>>
    %dma_start3A_22 = arith.constant 0 : i32
    %dma_start3A_23 = tpu.memref_slice %arg8[%dma_start3A_16, %dma_start3A_22] : memref<60x128xi32, #tpu.memory_space<vmem>> -> memref<1x128xi32, #tpu.memory_space<vmem>>
    %dma_start3A_24 = tpu.memref_squeeze %dma_start3A_23 : memref<1x128xi32, #tpu.memory_space<vmem>> -> memref<128xi32, #tpu.memory_space<vmem>>
    %dma_start3A_25 = arith.constant 0 : i32
    %dma_start3A_26 = arith.constant 0 : i32
    %dma_start3A_27 = tpu.memref_slice %arg2[%dma_start3A_25, %dma_start3A_26] : memref<10112x128xf32, #tpu.memory_space<hbm>> -> memref<10112x128xf32, #tpu.memory_space<hbm>>
    tpu.enqueue_indirect_dma source(%dma_start3A_27 : memref<10112x128xf32, #tpu.memory_space<hbm>>) target(%dma_start3A_21 : memref<128x128xf32, #tpu.memory_space<vmem>>) offsets(%dma_start3A_24 : memref<128xi32, #tpu.memory_space<vmem>>) semaphore(%arg12 : memref<!tpu.dma_semaphore, #tpu.memory_space<semaphore_mem>>)
    %jit3A_28 = arith.constant 2 : i32
    %div3A = arith.divsi %select_n3A, %jit3A_28 : i32
    %sign3A = arith.constant 0 : i32
    %sign3A_29 = arith.cmpi sgt, %select_n3A, %sign3A : i32
    %sign3A_30 = arith.extui %sign3A_29 : i1 to i32
    %sign3A_31 = arith.constant 0 : i32
    %sign3A_32 = arith.cmpi slt, %select_n3A, %sign3A_31 : i32
    %sign3A_33 = arith.extui %sign3A_32 : i1 to i32
    %sign3A_34 = arith.subi %sign3A_30, %sign3A_33 : i32
    %sign3A_35 = arith.constant 0 : i32
    %sign3A_36 = arith.cmpi sgt, %jit3A_28, %sign3A_35 : i32
    %sign3A_37 = arith.extui %sign3A_36 : i1 to i32
    %sign3A_38 = arith.constant 0 : i32
    %sign3A_39 = arith.cmpi slt, %jit3A_28, %sign3A_38 : i32
    %sign3A_40 = arith.extui %sign3A_39 : i1 to i32
    %sign3A_41 = arith.subi %sign3A_37, %sign3A_40 : i32
    %ne3A = arith.cmpi ne, %sign3A_34, %sign3A_41 : i32
    %rem3A = arith.remsi %select_n3A, %jit3A_28 : i32
    %ne3A_42 = arith.constant 0 : i32
    %ne3A_43 = arith.cmpi ne, %rem3A, %ne3A_42 : i32
    %and3A = arith.andi %ne3A, %ne3A_43 : i1
    %sub3A = arith.constant 1 : i32
    %sub3A_44 = arith.subi %div3A, %sub3A : i32
    %select_n3A_45 = arith.select %and3A, %sub3A_44, %div3A : i32
    %sub3A_46 = arith.constant 1 : i32
    %sub3A_47 = arith.subi %select_n3A_45, %sub3A_46 : i32
    %while3A = arith.constant 0 : i32
    %while3A_48 = arith.constant 0 : i32
    %while3A_49 = arith.subi %sub3A_47, %while3A_48 : i32
    %while3A_50 = arith.addi %while3A_48, %while3A_49 : i32
    %while3A_51 = arith.constant 1 : i32
    %while3A_52 = arith.divsi %while3A_49, %while3A_51 : i32
    %while3A_53 = arith.muli %while3A_52, %while3A_51 : i32
    %while3A_54 = arith.addi %while3A_48, %while3A_53 : i32
    %while3A_55 = arith.constant 1 : i32
    scf.for %while3A_129 = %while3A_48 to %while3A_54 step %while3A_55  : i32 {
      %mul3A_130 = arith.constant 2 : i32
      %mul3A_131 = arith.muli %mul3A_130, %while3A_129 : i32
      %dma_wait3A_132 = arith.constant 0 : i32
      %dma_wait3A_133 = arith.constant 0 : i32
      %dma_wait3A_134 = arith.constant 0 : i32
      %dma_wait3A_135 = arith.constant 0 : i32
      %dma_wait3A_136 = tpu.memref_slice %arg10[%dma_wait3A_133, %dma_wait3A_134, %dma_wait3A_135] : memref<2x128x128xf32, #tpu.memory_space<vmem>> -> memref<1x128x128xf32, #tpu.memory_space<vmem>>
      %dma_wait3A_137 = tpu.memref_squeeze %dma_wait3A_136 : memref<1x128x128xf32, #tpu.memory_space<vmem>> -> memref<128x128xf32, #tpu.memory_space<vmem>>
      %dma_wait3A_138 = arith.constant 0 : i32
      %dma_wait3A_139 = tpu.memref_slice %arg8[%dma_wait3A_132, %dma_wait3A_138] : memref<60x128xi32, #tpu.memory_space<vmem>> -> memref<1x128xi32, #tpu.memory_space<vmem>>
      %dma_wait3A_140 = tpu.memref_squeeze %dma_wait3A_139 : memref<1x128xi32, #tpu.memory_space<vmem>> -> memref<128xi32, #tpu.memory_space<vmem>>
      %dma_wait3A_141 = arith.constant 0 : i32
      %dma_wait3A_142 = arith.constant 0 : i32
      %dma_wait3A_143 = tpu.memref_slice %arg2[%dma_wait3A_141, %dma_wait3A_142] : memref<10112x128xf32, #tpu.memory_space<hbm>> -> memref<10112x128xf32, #tpu.memory_space<hbm>>
      tpu.wait_indirect_dma semaphore(%arg11 : memref<!tpu.dma_semaphore, #tpu.memory_space<semaphore_mem>>) src(%dma_wait3A_143 : memref<10112x128xf32, #tpu.memory_space<hbm>>) dst(%dma_wait3A_137 : memref<128x128xf32, #tpu.memory_space<vmem>>)
      %dma_start3A_144 = arith.constant 0 : i32
      %dma_start3A_145 = arith.constant 0 : i32
      %dma_start3A_146 = arith.constant 0 : i32
      %dma_start3A_147 = tpu.memref_slice %arg10[%dma_start3A_144, %dma_start3A_145, %dma_start3A_146] : memref<2x128x128xf32, #tpu.memory_space<vmem>> -> memref<1x128x128xf32, #tpu.memory_space<vmem>>
      %dma_start3A_148 = tpu.memref_squeeze %dma_start3A_147 : memref<1x128x128xf32, #tpu.memory_space<vmem>> -> memref<128x128xf32, #tpu.memory_space<vmem>>
      %dma_start3A_149 = arith.constant 0 : i32
      %dma_start3A_150 = tpu.memref_slice %arg9[%mul3A_131, %dma_start3A_149] : memref<60x128xi32, #tpu.memory_space<vmem>> -> memref<1x128xi32, #tpu.memory_space<vmem>>
      %dma_start3A_151 = tpu.memref_squeeze %dma_start3A_150 : memref<1x128xi32, #tpu.memory_space<vmem>> -> memref<128xi32, #tpu.memory_space<vmem>>
      %dma_start3A_152 = arith.constant 0 : i32
      %dma_start3A_153 = arith.constant 0 : i32
      %dma_start3A_154 = tpu.memref_slice %arg7[%dma_start3A_152, %dma_start3A_153] : memref<10112x128xf32, #tpu.memory_space<vmem_shared>> -> memref<10112x128xf32, #tpu.memory_space<vmem_shared>>
      tpu.enqueue_indirect_dma source(%dma_start3A_148 : memref<128x128xf32, #tpu.memory_space<vmem>>) target(%dma_start3A_154 : memref<10112x128xf32, #tpu.memory_space<vmem_shared>>) offsets(%dma_start3A_151 : memref<128xi32, #tpu.memory_space<vmem>>) semaphore(%arg13 : memref<!tpu.dma_semaphore, #tpu.memory_space<semaphore_mem>>) {add = true}
      %dma_wait3A_155 = arith.constant 0 : i32
      %dma_wait3A_156 = arith.constant 1 : i32
      %dma_wait3A_157 = arith.constant 0 : i32
      %dma_wait3A_158 = arith.constant 0 : i32
      %dma_wait3A_159 = tpu.memref_slice %arg10[%dma_wait3A_156, %dma_wait3A_157, %dma_wait3A_158] : memref<2x128x128xf32, #tpu.memory_space<vmem>> -> memref<1x128x128xf32, #tpu.memory_space<vmem>>
      %dma_wait3A_160 = tpu.memref_squeeze %dma_wait3A_159 : memref<1x128x128xf32, #tpu.memory_space<vmem>> -> memref<128x128xf32, #tpu.memory_space<vmem>>
      %dma_wait3A_161 = arith.constant 0 : i32
      %dma_wait3A_162 = tpu.memref_slice %arg8[%dma_wait3A_155, %dma_wait3A_161] : memref<60x128xi32, #tpu.memory_space<vmem>> -> memref<1x128xi32, #tpu.memory_space<vmem>>
      %dma_wait3A_163 = tpu.memref_squeeze %dma_wait3A_162 : memref<1x128xi32, #tpu.memory_space<vmem>> -> memref<128xi32, #tpu.memory_space<vmem>>
      %dma_wait3A_164 = arith.constant 0 : i32
      %dma_wait3A_165 = arith.constant 0 : i32
      %dma_wait3A_166 = tpu.memref_slice %arg2[%dma_wait3A_164, %dma_wait3A_165] : memref<10112x128xf32, #tpu.memory_space<hbm>> -> memref<10112x128xf32, #tpu.memory_space<hbm>>
      tpu.wait_indirect_dma semaphore(%arg12 : memref<!tpu.dma_semaphore, #tpu.memory_space<semaphore_mem>>) src(%dma_wait3A_166 : memref<10112x128xf32, #tpu.memory_space<hbm>>) dst(%dma_wait3A_160 : memref<128x128xf32, #tpu.memory_space<vmem>>)
      %add3A_167 = arith.constant 1 : i32
      %add3A_168 = arith.addi %mul3A_131, %add3A_167 : i32
      %dma_start3A_169 = arith.constant 1 : i32
      %dma_start3A_170 = arith.constant 0 : i32
      %dma_start3A_171 = arith.constant 0 : i32
      %dma_start3A_172 = tpu.memref_slice %arg10[%dma_start3A_169, %dma_start3A_170, %dma_start3A_171] : memref<2x128x128xf32, #tpu.memory_space<vmem>> -> memref<1x128x128xf32, #tpu.memory_space<vmem>>
      %dma_start3A_173 = tpu.memref_squeeze %dma_start3A_172 : memref<1x128x128xf32, #tpu.memory_space<vmem>> -> memref<128x128xf32, #tpu.memory_space<vmem>>
      %dma_start3A_174 = arith.constant 0 : i32
      %dma_start3A_175 = tpu.memref_slice %arg9[%add3A_168, %dma_start3A_174] : memref<60x128xi32, #tpu.memory_space<vmem>> -> memref<1x128xi32, #tpu.memory_space<vmem>>
      %dma_start3A_176 = tpu.memref_squeeze %dma_start3A_175 : memref<1x128xi32, #tpu.memory_space<vmem>> -> memref<128xi32, #tpu.memory_space<vmem>>
      %dma_start3A_177 = arith.constant 0 : i32
      %dma_start3A_178 = arith.constant 0 : i32
      %dma_start3A_179 = tpu.memref_slice %arg7[%dma_start3A_177, %dma_start3A_178] : memref<10112x128xf32, #tpu.memory_space<vmem_shared>> -> memref<10112x128xf32, #tpu.memory_space<vmem_shared>>
      tpu.enqueue_indirect_dma source(%dma_start3A_173 : memref<128x128xf32, #tpu.memory_space<vmem>>) target(%dma_start3A_179 : memref<10112x128xf32, #tpu.memory_space<vmem_shared>>) offsets(%dma_start3A_176 : memref<128xi32, #tpu.memory_space<vmem>>) semaphore(%arg14 : memref<!tpu.dma_semaphore, #tpu.memory_space<semaphore_mem>>) {add = true}
      %dma_wait3A_180 = arith.constant 0 : i32
      %dma_wait3A_181 = arith.constant 0 : i32
      %dma_wait3A_182 = arith.constant 0 : i32
      %dma_wait3A_183 = arith.constant 0 : i32
      %dma_wait3A_184 = tpu.memref_slice %arg10[%dma_wait3A_180, %dma_wait3A_182, %dma_wait3A_183] : memref<2x128x128xf32, #tpu.memory_space<vmem>> -> memref<1x128x128xf32, #tpu.memory_space<vmem>>
      %dma_wait3A_185 = tpu.memref_squeeze %dma_wait3A_184 : memref<1x128x128xf32, #tpu.memory_space<vmem>> -> memref<128x128xf32, #tpu.memory_space<vmem>>
      %dma_wait3A_186 = arith.constant 0 : i32
      %dma_wait3A_187 = tpu.memref_slice %arg9[%dma_wait3A_181, %dma_wait3A_186] : memref<60x128xi32, #tpu.memory_space<vmem>> -> memref<1x128xi32, #tpu.memory_space<vmem>>
      %dma_wait3A_188 = tpu.memref_squeeze %dma_wait3A_187 : memref<1x128xi32, #tpu.memory_space<vmem>> -> memref<128xi32, #tpu.memory_space<vmem>>
      %dma_wait3A_189 = arith.constant 0 : i32
      %dma_wait3A_190 = arith.constant 0 : i32
      %dma_wait3A_191 = tpu.memref_slice %arg7[%dma_wait3A_189, %dma_wait3A_190] : memref<10112x128xf32, #tpu.memory_space<vmem_shared>> -> memref<10112x128xf32, #tpu.memory_space<vmem_shared>>
      tpu.wait_indirect_dma semaphore(%arg13 : memref<!tpu.dma_semaphore, #tpu.memory_space<semaphore_mem>>) src(%dma_wait3A_185 : memref<128x128xf32, #tpu.memory_space<vmem>>) dst(%dma_wait3A_191 : memref<10112x128xf32, #tpu.memory_space<vmem_shared>>)
      %add3A_192 = arith.constant 2 : i32
      %add3A_193 = arith.addi %mul3A_131, %add3A_192 : i32
      %dma_start3A_194 = arith.constant 0 : i32
      %dma_start3A_195 = arith.constant 0 : i32
      %dma_start3A_196 = arith.constant 0 : i32
      %dma_start3A_197 = tpu.memref_slice %arg10[%dma_start3A_194, %dma_start3A_195, %dma_start3A_196] : memref<2x128x128xf32, #tpu.memory_space<vmem>> -> memref<1x128x128xf32, #tpu.memory_space<vmem>>
      %dma_start3A_198 = tpu.memref_squeeze %dma_start3A_197 : memref<1x128x128xf32, #tpu.memory_space<vmem>> -> memref<128x128xf32, #tpu.memory_space<vmem>>
      %dma_start3A_199 = arith.constant 0 : i32
      %dma_start3A_200 = tpu.memref_slice %arg8[%add3A_193, %dma_start3A_199] : memref<60x128xi32, #tpu.memory_space<vmem>> -> memref<1x128xi32, #tpu.memory_space<vmem>>
      %dma_start3A_201 = tpu.memref_squeeze %dma_start3A_200 : memref<1x128xi32, #tpu.memory_space<vmem>> -> memref<128xi32, #tpu.memory_space<vmem>>
      %dma_start3A_202 = arith.constant 0 : i32
      %dma_start3A_203 = arith.constant 0 : i32
      %dma_start3A_204 = tpu.memref_slice %arg2[%dma_start3A_202, %dma_start3A_203] : memref<10112x128xf32, #tpu.memory_space<hbm>> -> memref<10112x128xf32, #tpu.memory_space<hbm>>
      tpu.enqueue_indirect_dma source(%dma_start3A_204 : memref<10112x128xf32, #tpu.memory_space<hbm>>) target(%dma_start3A_198 : memref<128x128xf32, #tpu.memory_space<vmem>>) offsets(%dma_start3A_201 : memref<128xi32, #tpu.memory_space<vmem>>) semaphore(%arg11 : memref<!tpu.dma_semaphore, #tpu.memory_space<semaphore_mem>>)
      %dma_wait3A_205 = arith.constant 1 : i32
      %dma_wait3A_206 = arith.constant 0 : i32
      %dma_wait3A_207 = arith.constant 0 : i32
      %dma_wait3A_208 = arith.constant 0 : i32
      %dma_wait3A_209 = tpu.memref_slice %arg10[%dma_wait3A_205, %dma_wait3A_207, %dma_wait3A_208] : memref<2x128x128xf32, #tpu.memory_space<vmem>> -> memref<1x128x128xf32, #tpu.memory_space<vmem>>
      %dma_wait3A_210 = tpu.memref_squeeze %dma_wait3A_209 : memref<1x128x128xf32, #tpu.memory_space<vmem>> -> memref<128x128xf32, #tpu.memory_space<vmem>>
      %dma_wait3A_211 = arith.constant 0 : i32
      %dma_wait3A_212 = tpu.memref_slice %arg9[%dma_wait3A_206, %dma_wait3A_211] : memref<60x128xi32, #tpu.memory_space<vmem>> -> memref<1x128xi32, #tpu.memory_space<vmem>>
      %dma_wait3A_213 = tpu.memref_squeeze %dma_wait3A_212 : memref<1x128xi32, #tpu.memory_space<vmem>> -> memref<128xi32, #tpu.memory_space<vmem>>
      %dma_wait3A_214 = arith.constant 0 : i32
      %dma_wait3A_215 = arith.constant 0 : i32
      %dma_wait3A_216 = tpu.memref_slice %arg7[%dma_wait3A_214, %dma_wait3A_215] : memref<10112x128xf32, #tpu.memory_space<vmem_shared>> -> memref<10112x128xf32, #tpu.memory_space<vmem_shared>>
      tpu.wait_indirect_dma semaphore(%arg14 : memref<!tpu.dma_semaphore, #tpu.memory_space<semaphore_mem>>) src(%dma_wait3A_210 : memref<128x128xf32, #tpu.memory_space<vmem>>) dst(%dma_wait3A_216 : memref<10112x128xf32, #tpu.memory_space<vmem_shared>>)
      %add3A_217 = arith.constant 3 : i32
      %add3A_218 = arith.addi %mul3A_131, %add3A_217 : i32
      %dma_start3A_219 = arith.constant 1 : i32
      %dma_start3A_220 = arith.constant 0 : i32
      %dma_start3A_221 = arith.constant 0 : i32
      %dma_start3A_222 = tpu.memref_slice %arg10[%dma_start3A_219, %dma_start3A_220, %dma_start3A_221] : memref<2x128x128xf32, #tpu.memory_space<vmem>> -> memref<1x128x128xf32, #tpu.memory_space<vmem>>
      %dma_start3A_223 = tpu.memref_squeeze %dma_start3A_222 : memref<1x128x128xf32, #tpu.memory_space<vmem>> -> memref<128x128xf32, #tpu.memory_space<vmem>>
      %dma_start3A_224 = arith.constant 0 : i32
      %dma_start3A_225 = tpu.memref_slice %arg8[%add3A_218, %dma_start3A_224] : memref<60x128xi32, #tpu.memory_space<vmem>> -> memref<1x128xi32, #tpu.memory_space<vmem>>
      %dma_start3A_226 = tpu.memref_squeeze %dma_start3A_225 : memref<1x128xi32, #tpu.memory_space<vmem>> -> memref<128xi32, #tpu.memory_space<vmem>>
      %dma_start3A_227 = arith.constant 0 : i32
      %dma_start3A_228 = arith.constant 0 : i32
      %dma_start3A_229 = tpu.memref_slice %arg2[%dma_start3A_227, %dma_start3A_228] : memref<10112x128xf32, #tpu.memory_space<hbm>> -> memref<10112x128xf32, #tpu.memory_space<hbm>>
      tpu.enqueue_indirect_dma source(%dma_start3A_229 : memref<10112x128xf32, #tpu.memory_space<hbm>>) target(%dma_start3A_223 : memref<128x128xf32, #tpu.memory_space<vmem>>) offsets(%dma_start3A_226 : memref<128xi32, #tpu.memory_space<vmem>>) semaphore(%arg12 : memref<!tpu.dma_semaphore, #tpu.memory_space<semaphore_mem>>)
    }
    %while3A_56 = arith.constant 1 : i32
    scf.for %while3A_129 = %while3A_54 to %while3A_50 step %while3A_56  : i32 {
      %mul3A_130 = arith.constant 2 : i32
      %mul3A_131 = arith.muli %mul3A_130, %while3A_129 : i32
      %dma_wait3A_132 = arith.constant 0 : i32
      %dma_wait3A_133 = arith.constant 0 : i32
      %dma_wait3A_134 = arith.constant 0 : i32
      %dma_wait3A_135 = arith.constant 0 : i32
      %dma_wait3A_136 = tpu.memref_slice %arg10[%dma_wait3A_133, %dma_wait3A_134, %dma_wait3A_135] : memref<2x128x128xf32, #tpu.memory_space<vmem>> -> memref<1x128x128xf32, #tpu.memory_space<vmem>>
      %dma_wait3A_137 = tpu.memref_squeeze %dma_wait3A_136 : memref<1x128x128xf32, #tpu.memory_space<vmem>> -> memref<128x128xf32, #tpu.memory_space<vmem>>
      %dma_wait3A_138 = arith.constant 0 : i32
      %dma_wait3A_139 = tpu.memref_slice %arg8[%dma_wait3A_132, %dma_wait3A_138] : memref<60x128xi32, #tpu.memory_space<vmem>> -> memref<1x128xi32, #tpu.memory_space<vmem>>
      %dma_wait3A_140 = tpu.memref_squeeze %dma_wait3A_139 : memref<1x128xi32, #tpu.memory_space<vmem>> -> memref<128xi32, #tpu.memory_space<vmem>>
      %dma_wait3A_141 = arith.constant 0 : i32
      %dma_wait3A_142 = arith.constant 0 : i32
      %dma_wait3A_143 = tpu.memref_slice %arg2[%dma_wait3A_141, %dma_wait3A_142] : memref<10112x128xf32, #tpu.memory_space<hbm>> -> memref<10112x128xf32, #tpu.memory_space<hbm>>
      tpu.wait_indirect_dma semaphore(%arg11 : memref<!tpu.dma_semaphore, #tpu.memory_space<semaphore_mem>>) src(%dma_wait3A_143 : memref<10112x128xf32, #tpu.memory_space<hbm>>) dst(%dma_wait3A_137 : memref<128x128xf32, #tpu.memory_space<vmem>>)
      %dma_start3A_144 = arith.constant 0 : i32
      %dma_start3A_145 = arith.constant 0 : i32
      %dma_start3A_146 = arith.constant 0 : i32
      %dma_start3A_147 = tpu.memref_slice %arg10[%dma_start3A_144, %dma_start3A_145, %dma_start3A_146] : memref<2x128x128xf32, #tpu.memory_space<vmem>> -> memref<1x128x128xf32, #tpu.memory_space<vmem>>
      %dma_start3A_148 = tpu.memref_squeeze %dma_start3A_147 : memref<1x128x128xf32, #tpu.memory_space<vmem>> -> memref<128x128xf32, #tpu.memory_space<vmem>>
      %dma_start3A_149 = arith.constant 0 : i32
      %dma_start3A_150 = tpu.memref_slice %arg9[%mul3A_131, %dma_start3A_149] : memref<60x128xi32, #tpu.memory_space<vmem>> -> memref<1x128xi32, #tpu.memory_space<vmem>>
      %dma_start3A_151 = tpu.memref_squeeze %dma_start3A_150 : memref<1x128xi32, #tpu.memory_space<vmem>> -> memref<128xi32, #tpu.memory_space<vmem>>
      %dma_start3A_152 = arith.constant 0 : i32
      %dma_start3A_153 = arith.constant 0 : i32
      %dma_start3A_154 = tpu.memref_slice %arg7[%dma_start3A_152, %dma_start3A_153] : memref<10112x128xf32, #tpu.memory_space<vmem_shared>> -> memref<10112x128xf32, #tpu.memory_space<vmem_shared>>
      tpu.enqueue_indirect_dma source(%dma_start3A_148 : memref<128x128xf32, #tpu.memory_space<vmem>>) target(%dma_start3A_154 : memref<10112x128xf32, #tpu.memory_space<vmem_shared>>) offsets(%dma_start3A_151 : memref<128xi32, #tpu.memory_space<vmem>>) semaphore(%arg13 : memref<!tpu.dma_semaphore, #tpu.memory_space<semaphore_mem>>) {add = true}
      %dma_wait3A_155 = arith.constant 0 : i32
      %dma_wait3A_156 = arith.constant 1 : i32
      %dma_wait3A_157 = arith.constant 0 : i32
      %dma_wait3A_158 = arith.constant 0 : i32
      %dma_wait3A_159 = tpu.memref_slice %arg10[%dma_wait3A_156, %dma_wait3A_157, %dma_wait3A_158] : memref<2x128x128xf32, #tpu.memory_space<vmem>> -> memref<1x128x128xf32, #tpu.memory_space<vmem>>
      %dma_wait3A_160 = tpu.memref_squeeze %dma_wait3A_159 : memref<1x128x128xf32, #tpu.memory_space<vmem>> -> memref<128x128xf32, #tpu.memory_space<vmem>>
      %dma_wait3A_161 = arith.constant 0 : i32
      %dma_wait3A_162 = tpu.memref_slice %arg8[%dma_wait3A_155, %dma_wait3A_161] : memref<60x128xi32, #tpu.memory_space<vmem>> -> memref<1x128xi32, #tpu.memory_space<vmem>>
      %dma_wait3A_163 = tpu.memref_squeeze %dma_wait3A_162 : memref<1x128xi32, #tpu.memory_space<vmem>> -> memref<128xi32, #tpu.memory_space<vmem>>
      %dma_wait3A_164 = arith.constant 0 : i32
      %dma_wait3A_165 = arith.constant 0 : i32
      %dma_wait3A_166 = tpu.memref_slice %arg2[%dma_wait3A_164, %dma_wait3A_165] : memref<10112x128xf32, #tpu.memory_space<hbm>> -> memref<10112x128xf32, #tpu.memory_space<hbm>>
      tpu.wait_indirect_dma semaphore(%arg12 : memref<!tpu.dma_semaphore, #tpu.memory_space<semaphore_mem>>) src(%dma_wait3A_166 : memref<10112x128xf32, #tpu.memory_space<hbm>>) dst(%dma_wait3A_160 : memref<128x128xf32, #tpu.memory_space<vmem>>)
      %add3A_167 = arith.constant 1 : i32
      %add3A_168 = arith.addi %mul3A_131, %add3A_167 : i32
      %dma_start3A_169 = arith.constant 1 : i32
      %dma_start3A_170 = arith.constant 0 : i32
      %dma_start3A_171 = arith.constant 0 : i32
      %dma_start3A_172 = tpu.memref_slice %arg10[%dma_start3A_169, %dma_start3A_170, %dma_start3A_171] : memref<2x128x128xf32, #tpu.memory_space<vmem>> -> memref<1x128x128xf32, #tpu.memory_space<vmem>>
      %dma_start3A_173 = tpu.memref_squeeze %dma_start3A_172 : memref<1x128x128xf32, #tpu.memory_space<vmem>> -> memref<128x128xf32, #tpu.memory_space<vmem>>
      %dma_start3A_174 = arith.constant 0 : i32
      %dma_start3A_175 = tpu.memref_slice %arg9[%add3A_168, %dma_start3A_174] : memref<60x128xi32, #tpu.memory_space<vmem>> -> memref<1x128xi32, #tpu.memory_space<vmem>>
      %dma_start3A_176 = tpu.memref_squeeze %dma_start3A_175 : memref<1x128xi32, #tpu.memory_space<vmem>> -> memref<128xi32, #tpu.memory_space<vmem>>
      %dma_start3A_177 = arith.constant 0 : i32
      %dma_start3A_178 = arith.constant 0 : i32
      %dma_start3A_179 = tpu.memref_slice %arg7[%dma_start3A_177, %dma_start3A_178] : memref<10112x128xf32, #tpu.memory_space<vmem_shared>> -> memref<10112x128xf32, #tpu.memory_space<vmem_shared>>
      tpu.enqueue_indirect_dma source(%dma_start3A_173 : memref<128x128xf32, #tpu.memory_space<vmem>>) target(%dma_start3A_179 : memref<10112x128xf32, #tpu.memory_space<vmem_shared>>) offsets(%dma_start3A_176 : memref<128xi32, #tpu.memory_space<vmem>>) semaphore(%arg14 : memref<!tpu.dma_semaphore, #tpu.memory_space<semaphore_mem>>) {add = true}
      %dma_wait3A_180 = arith.constant 0 : i32
      %dma_wait3A_181 = arith.constant 0 : i32
      %dma_wait3A_182 = arith.constant 0 : i32
      %dma_wait3A_183 = arith.constant 0 : i32
      %dma_wait3A_184 = tpu.memref_slice %arg10[%dma_wait3A_180, %dma_wait3A_182, %dma_wait3A_183] : memref<2x128x128xf32, #tpu.memory_space<vmem>> -> memref<1x128x128xf32, #tpu.memory_space<vmem>>
      %dma_wait3A_185 = tpu.memref_squeeze %dma_wait3A_184 : memref<1x128x128xf32, #tpu.memory_space<vmem>> -> memref<128x128xf32, #tpu.memory_space<vmem>>
      %dma_wait3A_186 = arith.constant 0 : i32
      %dma_wait3A_187 = tpu.memref_slice %arg9[%dma_wait3A_181, %dma_wait3A_186] : memref<60x128xi32, #tpu.memory_space<vmem>> -> memref<1x128xi32, #tpu.memory_space<vmem>>
      %dma_wait3A_188 = tpu.memref_squeeze %dma_wait3A_187 : memref<1x128xi32, #tpu.memory_space<vmem>> -> memref<128xi32, #tpu.memory_space<vmem>>
      %dma_wait3A_189 = arith.constant 0 : i32
      %dma_wait3A_190 = arith.constant 0 : i32
      %dma_wait3A_191 = tpu.memref_slice %arg7[%dma_wait3A_189, %dma_wait3A_190] : memref<10112x128xf32, #tpu.memory_space<vmem_shared>> -> memref<10112x128xf32, #tpu.memory_space<vmem_shared>>
      tpu.wait_indirect_dma semaphore(%arg13 : memref<!tpu.dma_semaphore, #tpu.memory_space<semaphore_mem>>) src(%dma_wait3A_185 : memref<128x128xf32, #tpu.memory_space<vmem>>) dst(%dma_wait3A_191 : memref<10112x128xf32, #tpu.memory_space<vmem_shared>>)
      %add3A_192 = arith.constant 2 : i32
      %add3A_193 = arith.addi %mul3A_131, %add3A_192 : i32
      %dma_start3A_194 = arith.constant 0 : i32
      %dma_start3A_195 = arith.constant 0 : i32
      %dma_start3A_196 = arith.constant 0 : i32
      %dma_start3A_197 = tpu.memref_slice %arg10[%dma_start3A_194, %dma_start3A_195, %dma_start3A_196] : memref<2x128x128xf32, #tpu.memory_space<vmem>> -> memref<1x128x128xf32, #tpu.memory_space<vmem>>
      %dma_start3A_198 = tpu.memref_squeeze %dma_start3A_197 : memref<1x128x128xf32, #tpu.memory_space<vmem>> -> memref<128x128xf32, #tpu.memory_space<vmem>>
      %dma_start3A_199 = arith.constant 0 : i32
      %dma_start3A_200 = tpu.memref_slice %arg8[%add3A_193, %dma_start3A_199] : memref<60x128xi32, #tpu.memory_space<vmem>> -> memref<1x128xi32, #tpu.memory_space<vmem>>
      %dma_start3A_201 = tpu.memref_squeeze %dma_start3A_200 : memref<1x128xi32, #tpu.memory_space<vmem>> -> memref<128xi32, #tpu.memory_space<vmem>>
      %dma_start3A_202 = arith.constant 0 : i32
      %dma_start3A_203 = arith.constant 0 : i32
      %dma_start3A_204 = tpu.memref_slice %arg2[%dma_start3A_202, %dma_start3A_203] : memref<10112x128xf32, #tpu.memory_space<hbm>> -> memref<10112x128xf32, #tpu.memory_space<hbm>>
      tpu.enqueue_indirect_dma source(%dma_start3A_204 : memref<10112x128xf32, #tpu.memory_space<hbm>>) target(%dma_start3A_198 : memref<128x128xf32, #tpu.memory_space<vmem>>) offsets(%dma_start3A_201 : memref<128xi32, #tpu.memory_space<vmem>>) semaphore(%arg11 : memref<!tpu.dma_semaphore, #tpu.memory_space<semaphore_mem>>)
      %dma_wait3A_205 = arith.constant 1 : i32
      %dma_wait3A_206 = arith.constant 0 : i32
      %dma_wait3A_207 = arith.constant 0 : i32
      %dma_wait3A_208 = arith.constant 0 : i32
      %dma_wait3A_209 = tpu.memref_slice %arg10[%dma_wait3A_205, %dma_wait3A_207, %dma_wait3A_208] : memref<2x128x128xf32, #tpu.memory_space<vmem>> -> memref<1x128x128xf32, #tpu.memory_space<vmem>>
      %dma_wait3A_210 = tpu.memref_squeeze %dma_wait3A_209 : memref<1x128x128xf32, #tpu.memory_space<vmem>> -> memref<128x128xf32, #tpu.memory_space<vmem>>
      %dma_wait3A_211 = arith.constant 0 : i32
      %dma_wait3A_212 = tpu.memref_slice %arg9[%dma_wait3A_206, %dma_wait3A_211] : memref<60x128xi32, #tpu.memory_space<vmem>> -> memref<1x128xi32, #tpu.memory_space<vmem>>
      %dma_wait3A_213 = tpu.memref_squeeze %dma_wait3A_212 : memref<1x128xi32, #tpu.memory_space<vmem>> -> memref<128xi32, #tpu.memory_space<vmem>>
      %dma_wait3A_214 = arith.constant 0 : i32
      %dma_wait3A_215 = arith.constant 0 : i32
      %dma_wait3A_216 = tpu.memref_slice %arg7[%dma_wait3A_214, %dma_wait3A_215] : memref<10112x128xf32, #tpu.memory_space<vmem_shared>> -> memref<10112x128xf32, #tpu.memory_space<vmem_shared>>
      tpu.wait_indirect_dma semaphore(%arg14 : memref<!tpu.dma_semaphore, #tpu.memory_space<semaphore_mem>>) src(%dma_wait3A_210 : memref<128x128xf32, #tpu.memory_space<vmem>>) dst(%dma_wait3A_216 : memref<10112x128xf32, #tpu.memory_space<vmem_shared>>)
      %add3A_217 = arith.constant 3 : i32
      %add3A_218 = arith.addi %mul3A_131, %add3A_217 : i32
      %dma_start3A_219 = arith.constant 1 : i32
      %dma_start3A_220 = arith.constant 0 : i32
      %dma_start3A_221 = arith.constant 0 : i32
      %dma_start3A_222 = tpu.memref_slice %arg10[%dma_start3A_219, %dma_start3A_220, %dma_start3A_221] : memref<2x128x128xf32, #tpu.memory_space<vmem>> -> memref<1x128x128xf32, #tpu.memory_space<vmem>>
      %dma_start3A_223 = tpu.memref_squeeze %dma_start3A_222 : memref<1x128x128xf32, #tpu.memory_space<vmem>> -> memref<128x128xf32, #tpu.memory_space<vmem>>
      %dma_start3A_224 = arith.constant 0 : i32
      %dma_start3A_225 = tpu.memref_slice %arg8[%add3A_218, %dma_start3A_224] : memref<60x128xi32, #tpu.memory_space<vmem>> -> memref<1x128xi32, #tpu.memory_space<vmem>>
      %dma_start3A_226 = tpu.memref_squeeze %dma_start3A_225 : memref<1x128xi32, #tpu.memory_space<vmem>> -> memref<128xi32, #tpu.memory_space<vmem>>
      %dma_start3A_227 = arith.constant 0 : i32
      %dma_start3A_228 = arith.constant 0 : i32
      %dma_start3A_229 = tpu.memref_slice %arg2[%dma_start3A_227, %dma_start3A_228] : memref<10112x128xf32, #tpu.memory_space<hbm>> -> memref<10112x128xf32, #tpu.memory_space<hbm>>
      tpu.enqueue_indirect_dma source(%dma_start3A_229 : memref<10112x128xf32, #tpu.memory_space<hbm>>) target(%dma_start3A_223 : memref<128x128xf32, #tpu.memory_space<vmem>>) offsets(%dma_start3A_226 : memref<128xi32, #tpu.memory_space<vmem>>) semaphore(%arg12 : memref<!tpu.dma_semaphore, #tpu.memory_space<semaphore_mem>>)
    }
    %dma_wait3A = arith.constant 0 : i32
    %dma_wait3A_57 = arith.constant 0 : i32
    %dma_wait3A_58 = arith.constant 0 : i32
    %dma_wait3A_59 = arith.constant 0 : i32
    %dma_wait3A_60 = tpu.memref_slice %arg10[%dma_wait3A_57, %dma_wait3A_58, %dma_wait3A_59] : memref<2x128x128xf32, #tpu.memory_space<vmem>> -> memref<1x128x128xf32, #tpu.memory_space<vmem>>
    %dma_wait3A_61 = tpu.memref_squeeze %dma_wait3A_60 : memref<1x128x128xf32, #tpu.memory_space<vmem>> -> memref<128x128xf32, #tpu.memory_space<vmem>>
    %dma_wait3A_62 = arith.constant 0 : i32
    %dma_wait3A_63 = tpu.memref_slice %arg8[%dma_wait3A, %dma_wait3A_62] : memref<60x128xi32, #tpu.memory_space<vmem>> -> memref<1x128xi32, #tpu.memory_space<vmem>>
    %dma_wait3A_64 = tpu.memref_squeeze %dma_wait3A_63 : memref<1x128xi32, #tpu.memory_space<vmem>> -> memref<128xi32, #tpu.memory_space<vmem>>
    %dma_wait3A_65 = arith.constant 0 : i32
    %dma_wait3A_66 = arith.constant 0 : i32
    %dma_wait3A_67 = tpu.memref_slice %arg2[%dma_wait3A_65, %dma_wait3A_66] : memref<10112x128xf32, #tpu.memory_space<hbm>> -> memref<10112x128xf32, #tpu.memory_space<hbm>>
    tpu.wait_indirect_dma semaphore(%arg11 : memref<!tpu.dma_semaphore, #tpu.memory_space<semaphore_mem>>) src(%dma_wait3A_67 : memref<10112x128xf32, #tpu.memory_space<hbm>>) dst(%dma_wait3A_61 : memref<128x128xf32, #tpu.memory_space<vmem>>)
    %sub3A_68 = arith.constant 2 : i32
    %sub3A_69 = arith.subi %select_n3A, %sub3A_68 : i32
    %dma_start3A_70 = arith.constant 0 : i32
    %dma_start3A_71 = arith.constant 0 : i32
    %dma_start3A_72 = arith.constant 0 : i32
    %dma_start3A_73 = tpu.memref_slice %arg10[%dma_start3A_70, %dma_start3A_71, %dma_start3A_72] : memref<2x128x128xf32, #tpu.memory_space<vmem>> -> memref<1x128x128xf32, #tpu.memory_space<vmem>>
    %dma_start3A_74 = tpu.memref_squeeze %dma_start3A_73 : memref<1x128x128xf32, #tpu.memory_space<vmem>> -> memref<128x128xf32, #tpu.memory_space<vmem>>
    %dma_start3A_75 = arith.constant 0 : i32
    %dma_start3A_76 = tpu.memref_slice %arg9[%sub3A_69, %dma_start3A_75] : memref<60x128xi32, #tpu.memory_space<vmem>> -> memref<1x128xi32, #tpu.memory_space<vmem>>
    %dma_start3A_77 = tpu.memref_squeeze %dma_start3A_76 : memref<1x128xi32, #tpu.memory_space<vmem>> -> memref<128xi32, #tpu.memory_space<vmem>>
    %dma_start3A_78 = arith.constant 0 : i32
    %dma_start3A_79 = arith.constant 0 : i32
    %dma_start3A_80 = tpu.memref_slice %arg7[%dma_start3A_78, %dma_start3A_79] : memref<10112x128xf32, #tpu.memory_space<vmem_shared>> -> memref<10112x128xf32, #tpu.memory_space<vmem_shared>>
    tpu.enqueue_indirect_dma source(%dma_start3A_74 : memref<128x128xf32, #tpu.memory_space<vmem>>) target(%dma_start3A_80 : memref<10112x128xf32, #tpu.memory_space<vmem_shared>>) offsets(%dma_start3A_77 : memref<128xi32, #tpu.memory_space<vmem>>) semaphore(%arg13 : memref<!tpu.dma_semaphore, #tpu.memory_space<semaphore_mem>>) {add = true}
    %dma_wait3A_81 = arith.constant 0 : i32
    %dma_wait3A_82 = arith.constant 1 : i32
    %dma_wait3A_83 = arith.constant 0 : i32
    %dma_wait3A_84 = arith.constant 0 : i32
    %dma_wait3A_85 = tpu.memref_slice %arg10[%dma_wait3A_82, %dma_wait3A_83, %dma_wait3A_84] : memref<2x128x128xf32, #tpu.memory_space<vmem>> -> memref<1x128x128xf32, #tpu.memory_space<vmem>>
    %dma_wait3A_86 = tpu.memref_squeeze %dma_wait3A_85 : memref<1x128x128xf32, #tpu.memory_space<vmem>> -> memref<128x128xf32, #tpu.memory_space<vmem>>
    %dma_wait3A_87 = arith.constant 0 : i32
    %dma_wait3A_88 = tpu.memref_slice %arg8[%dma_wait3A_81, %dma_wait3A_87] : memref<60x128xi32, #tpu.memory_space<vmem>> -> memref<1x128xi32, #tpu.memory_space<vmem>>
    %dma_wait3A_89 = tpu.memref_squeeze %dma_wait3A_88 : memref<1x128xi32, #tpu.memory_space<vmem>> -> memref<128xi32, #tpu.memory_space<vmem>>
    %dma_wait3A_90 = arith.constant 0 : i32
    %dma_wait3A_91 = arith.constant 0 : i32
    %dma_wait3A_92 = tpu.memref_slice %arg2[%dma_wait3A_90, %dma_wait3A_91] : memref<10112x128xf32, #tpu.memory_space<hbm>> -> memref<10112x128xf32, #tpu.memory_space<hbm>>
    tpu.wait_indirect_dma semaphore(%arg12 : memref<!tpu.dma_semaphore, #tpu.memory_space<semaphore_mem>>) src(%dma_wait3A_92 : memref<10112x128xf32, #tpu.memory_space<hbm>>) dst(%dma_wait3A_86 : memref<128x128xf32, #tpu.memory_space<vmem>>)
    %sub3A_93 = arith.constant 1 : i32
    %sub3A_94 = arith.subi %select_n3A, %sub3A_93 : i32
    %dma_start3A_95 = arith.constant 1 : i32
    %dma_start3A_96 = arith.constant 0 : i32
    %dma_start3A_97 = arith.constant 0 : i32
    %dma_start3A_98 = tpu.memref_slice %arg10[%dma_start3A_95, %dma_start3A_96, %dma_start3A_97] : memref<2x128x128xf32, #tpu.memory_space<vmem>> -> memref<1x128x128xf32, #tpu.memory_space<vmem>>
    %dma_start3A_99 = tpu.memref_squeeze %dma_start3A_98 : memref<1x128x128xf32, #tpu.memory_space<vmem>> -> memref<128x128xf32, #tpu.memory_space<vmem>>
    %dma_start3A_100 = arith.constant 0 : i32
    %dma_start3A_101 = tpu.memref_slice %arg9[%sub3A_94, %dma_start3A_100] : memref<60x128xi32, #tpu.memory_space<vmem>> -> memref<1x128xi32, #tpu.memory_space<vmem>>
    %dma_start3A_102 = tpu.memref_squeeze %dma_start3A_101 : memref<1x128xi32, #tpu.memory_space<vmem>> -> memref<128xi32, #tpu.memory_space<vmem>>
    %dma_start3A_103 = arith.constant 0 : i32
    %dma_start3A_104 = arith.constant 0 : i32
    %dma_start3A_105 = tpu.memref_slice %arg7[%dma_start3A_103, %dma_start3A_104] : memref<10112x128xf32, #tpu.memory_space<vmem_shared>> -> memref<10112x128xf32, #tpu.memory_space<vmem_shared>>
    tpu.enqueue_indirect_dma source(%dma_start3A_99 : memref<128x128xf32, #tpu.memory_space<vmem>>) target(%dma_start3A_105 : memref<10112x128xf32, #tpu.memory_space<vmem_shared>>) offsets(%dma_start3A_102 : memref<128xi32, #tpu.memory_space<vmem>>) semaphore(%arg14 : memref<!tpu.dma_semaphore, #tpu.memory_space<semaphore_mem>>) {add = true}
    %dma_wait3A_106 = arith.constant 0 : i32
    %dma_wait3A_107 = arith.constant 0 : i32
    %dma_wait3A_108 = arith.constant 0 : i32
    %dma_wait3A_109 = tpu.memref_slice %arg10[%dma_wait3A_106, %dma_wait3A_107, %dma_wait3A_108] : memref<2x128x128xf32, #tpu.memory_space<vmem>> -> memref<1x128x128xf32, #tpu.memory_space<vmem>>
    %dma_wait3A_110 = tpu.memref_squeeze %dma_wait3A_109 : memref<1x128x128xf32, #tpu.memory_space<vmem>> -> memref<128x128xf32, #tpu.memory_space<vmem>>
    %dma_wait3A_111 = arith.constant 0 : i32
    %dma_wait3A_112 = tpu.memref_slice %arg9[%sub3A_69, %dma_wait3A_111] : memref<60x128xi32, #tpu.memory_space<vmem>> -> memref<1x128xi32, #tpu.memory_space<vmem>>
    %dma_wait3A_113 = tpu.memref_squeeze %dma_wait3A_112 : memref<1x128xi32, #tpu.memory_space<vmem>> -> memref<128xi32, #tpu.memory_space<vmem>>
    %dma_wait3A_114 = arith.constant 0 : i32
    %dma_wait3A_115 = arith.constant 0 : i32
    %dma_wait3A_116 = tpu.memref_slice %arg7[%dma_wait3A_114, %dma_wait3A_115] : memref<10112x128xf32, #tpu.memory_space<vmem_shared>> -> memref<10112x128xf32, #tpu.memory_space<vmem_shared>>
    tpu.wait_indirect_dma semaphore(%arg13 : memref<!tpu.dma_semaphore, #tpu.memory_space<semaphore_mem>>) src(%dma_wait3A_110 : memref<128x128xf32, #tpu.memory_space<vmem>>) dst(%dma_wait3A_116 : memref<10112x128xf32, #tpu.memory_space<vmem_shared>>)
    %dma_wait3A_117 = arith.constant 1 : i32
    %dma_wait3A_118 = arith.constant 0 : i32
    %dma_wait3A_119 = arith.constant 0 : i32
    %dma_wait3A_120 = tpu.memref_slice %arg10[%dma_wait3A_117, %dma_wait3A_118, %dma_wait3A_119] : memref<2x128x128xf32, #tpu.memory_space<vmem>> -> memref<1x128x128xf32, #tpu.memory_space<vmem>>
    %dma_wait3A_121 = tpu.memref_squeeze %dma_wait3A_120 : memref<1x128x128xf32, #tpu.memory_space<vmem>> -> memref<128x128xf32, #tpu.memory_space<vmem>>
    %dma_wait3A_122 = arith.constant 0 : i32
    %dma_wait3A_123 = tpu.memref_slice %arg9[%sub3A_94, %dma_wait3A_122] : memref<60x128xi32, #tpu.memory_space<vmem>> -> memref<1x128xi32, #tpu.memory_space<vmem>>
    %dma_wait3A_124 = tpu.memref_squeeze %dma_wait3A_123 : memref<1x128xi32, #tpu.memory_space<vmem>> -> memref<128xi32, #tpu.memory_space<vmem>>
    %dma_wait3A_125 = arith.constant 0 : i32
    %dma_wait3A_126 = arith.constant 0 : i32
    %dma_wait3A_127 = tpu.memref_slice %arg7[%dma_wait3A_125, %dma_wait3A_126] : memref<10112x128xf32, #tpu.memory_space<vmem_shared>> -> memref<10112x128xf32, #tpu.memory_space<vmem_shared>>
    tpu.wait_indirect_dma semaphore(%arg14 : memref<!tpu.dma_semaphore, #tpu.memory_space<semaphore_mem>>) src(%dma_wait3A_121 : memref<128x128xf32, #tpu.memory_space<vmem>>) dst(%dma_wait3A_127 : memref<10112x128xf32, #tpu.memory_space<vmem_shared>>)
    %barrier3A_128 = arith.constant 0 : index
    tpu.barrier barrier_id(%barrier3A_128)
    "tpu.region"() ({
      %run_scoped3A = tpu.sem_alloc : memref<!tpu.dma_semaphore, #tpu.memory_space<semaphore_mem>>
      %dma_start3A_129 = arith.constant 0 : i32
      %dma_start3A_130 = tpu.memref_slice %arg6[%arg0, %mul3A_4, %dma_start3A_129] : memref<2x10112x128xf32, #tpu.memory_space<hbm>> -> memref<1x632x128xf32, #tpu.memory_space<hbm>>
      %dma_start3A_131 = tpu.memref_squeeze %dma_start3A_130 : memref<1x632x128xf32, #tpu.memory_space<hbm>> -> memref<632x128xf32, #tpu.memory_space<hbm>>
      %dma_start3A_132 = arith.constant 0 : i32
      %dma_start3A_133 = tpu.memref_slice %arg7[%mul3A_4, %dma_start3A_132] : memref<10112x128xf32, #tpu.memory_space<vmem_shared>> -> memref<632x128xf32, #tpu.memory_space<vmem_shared>>
      tpu.enqueue_dma source(%dma_start3A_133 : memref<632x128xf32, #tpu.memory_space<vmem_shared>>) target(%dma_start3A_131 : memref<632x128xf32, #tpu.memory_space<hbm>>) target_semaphore(%run_scoped3A : memref<!tpu.dma_semaphore, #tpu.memory_space<semaphore_mem>>)
      %dma_wait3A_134 = arith.constant 0 : i32
      %dma_wait3A_135 = tpu.memref_slice %arg6[%arg0, %mul3A_4, %dma_wait3A_134] : memref<2x10112x128xf32, #tpu.memory_space<hbm>> -> memref<1x632x128xf32, #tpu.memory_space<hbm>>
      %dma_wait3A_136 = tpu.memref_squeeze %dma_wait3A_135 : memref<1x632x128xf32, #tpu.memory_space<hbm>> -> memref<632x128xf32, #tpu.memory_space<hbm>>
      %dma_wait3A_137 = arith.constant 0 : i32
      %dma_wait3A_138 = tpu.memref_slice %arg7[%mul3A_4, %dma_wait3A_137] : memref<10112x128xf32, #tpu.memory_space<vmem_shared>> -> memref<632x128xf32, #tpu.memory_space<vmem_shared>>
      tpu.wait_dma2 semaphore(%run_scoped3A : memref<!tpu.dma_semaphore, #tpu.memory_space<semaphore_mem>>) src(%dma_wait3A_138 : memref<632x128xf32, #tpu.memory_space<vmem_shared>>) dst(%dma_wait3A_136 : memref<632x128xf32, #tpu.memory_space<hbm>>)
      tpu.yield
    }) : () -> ()
    return
  }
}

module attributes {stable_mosaic.version = 14 : i64} {
  func.func @_mm2_body(%arg0: i32, %arg1: memref<632x256xf32, #tpu.memory_space<vmem>>, %arg2: memref<256x128xf32, #tpu.memory_space<vmem>>, %arg3: memref<256x128xf32, #tpu.memory_space<vmem>>, %arg4: memref<632x128xf32, #tpu.memory_space<vmem>>, %arg5: memref<632x128xf32, #tpu.memory_space<vmem>>) attributes {dimension_semantics = [#tpu.dimension_semantics<arbitrary>], iteration_bounds = array<i64: 16>, scalar_prefetch = 0 : i64, scratch_operands = 0 : i64, tpu.core_type = #tpu.core_type<tc>, window_params = [{transform_indices = @transform_0, window_bounds = array<i64: 632, 256>}, {pipeline_mode = #tpu.pipeline_mode<synchronous>, transform_indices = @transform_1, window_bounds = array<i64: 256, 128>}, {pipeline_mode = #tpu.pipeline_mode<synchronous>, transform_indices = @transform_2, window_bounds = array<i64: 256, 128>}, {transform_indices = @transform_3, window_bounds = array<i64: 632, 128>}, {transform_indices = @transform_4, window_bounds = array<i64: 632, 128>}]} {
    %get3A = arith.constant 0 : index
    %get3A_0 = arith.constant 0 : index
    %get3A_1 = vector.load %arg1[%get3A, %get3A_0] : memref<632x256xf32, #tpu.memory_space<vmem>>, vector<632x256xf32>
    %get3A_2 = arith.constant 0 : index
    %get3A_3 = arith.constant 0 : index
    %get3A_4 = vector.load %arg2[%get3A_2, %get3A_3] : memref<256x128xf32, #tpu.memory_space<vmem>>, vector<256x128xf32>
    %dot_general3A = arith.constant dense<0.000000e+00> : vector<632x128xf32>
    %dot_general3A_5 = tpu.matmul %get3A_1, %get3A_4, %dot_general3A {dimension_numbers = #tpu.dot_dimension_numbers<[1], [0], [0], [1], [0, 0, 1, 1], [], []>, transpose_lhs_hint = false} : vector<632x256xf32>, vector<256x128xf32>, vector<632x128xf32> -> vector<632x128xf32>
    %swap3A = arith.constant 0 : index
    %swap3A_6 = arith.constant 0 : index
    %swap3A_7 = vector.load %arg4[%swap3A, %swap3A_6] : memref<632x128xf32, #tpu.memory_space<vmem>>, vector<632x128xf32>
    tpu.vector_store %arg4[%swap3A, %swap3A_6], %dot_general3A_5 {strides = array<i32>} : memref<632x128xf32, #tpu.memory_space<vmem>>, vector<632x128xf32>,
    %get3A_8 = arith.constant 0 : index
    %get3A_9 = arith.constant 0 : index
    %get3A_10 = vector.load %arg3[%get3A_8, %get3A_9] : memref<256x128xf32, #tpu.memory_space<vmem>>, vector<256x128xf32>
    %dot_general3A_11 = arith.constant dense<0.000000e+00> : vector<632x128xf32>
    %dot_general3A_12 = tpu.matmul %get3A_1, %get3A_10, %dot_general3A_11 {dimension_numbers = #tpu.dot_dimension_numbers<[1], [0], [0], [1], [0, 0, 1, 1], [], []>, transpose_lhs_hint = false} : vector<632x256xf32>, vector<256x128xf32>, vector<632x128xf32> -> vector<632x128xf32>
    %swap3A_13 = arith.constant 0 : index
    %swap3A_14 = arith.constant 0 : index
    %swap3A_15 = vector.load %arg5[%swap3A_13, %swap3A_14] : memref<632x128xf32, #tpu.memory_space<vmem>>, vector<632x128xf32>
    tpu.vector_store %arg5[%swap3A_13, %swap3A_14], %dot_general3A_12 {strides = array<i32>} : memref<632x128xf32, #tpu.memory_space<vmem>>, vector<632x128xf32>,
    return
  }
  func.func @transform_0(%arg0: i32) -> (i32, i32) {
    %c0_i32 = arith.constant 0 : i32
    %c0_i32_0 = arith.constant 0 : i32
    return %arg0, %c0_i32 : i32, i32
  }
  func.func @transform_1(%arg0: i32) -> (i32, i32) {
    %c0_i32 = arith.constant 0 : i32
    %c0_i32_0 = arith.constant 0 : i32
    %c0_i32_1 = arith.constant 0 : i32
    return %c0_i32, %c0_i32_0 : i32, i32
  }
  func.func @transform_2(%arg0: i32) -> (i32, i32) {
    %c0_i32 = arith.constant 0 : i32
    %c0_i32_0 = arith.constant 0 : i32
    %c0_i32_1 = arith.constant 0 : i32
    return %c0_i32, %c0_i32_0 : i32, i32
  }
  func.func @transform_3(%arg0: i32) -> (i32, i32) {
    %c0_i32 = arith.constant 0 : i32
    %c0_i32_0 = arith.constant 0 : i32
    return %arg0, %c0_i32 : i32, i32
  }
  func.func @transform_4(%arg0: i32) -> (i32, i32) {
    %c0_i32 = arith.constant 0 : i32
    %c0_i32_0 = arith.constant 0 : i32
    return %arg0, %c0_i32 : i32, i32
  }
}

module attributes {stable_mosaic.version = 14 : i64} {
  func.func @_reduce_cnt_body(%arg0: i32, %arg1: memref<632x128xf32, #tpu.memory_space<vmem>>, %arg2: memref<632x128xf32, #tpu.memory_space<vmem>>, %arg3: memref<632x1xf32, #tpu.memory_space<vmem>>) attributes {dimension_semantics = [#tpu.dimension_semantics<arbitrary>], iteration_bounds = array<i64: 16>, scalar_prefetch = 0 : i64, scratch_operands = 0 : i64, tpu.core_type = #tpu.core_type<tc>, window_params = [{transform_indices = @transform_0, window_bounds = array<i64: 632, 128>}, {transform_indices = @transform_1, window_bounds = array<i64: 632, 128>}, {transform_indices = @transform_2, window_bounds = array<i64: 632, 1>}]} {
    %get3A = arith.constant 0 : index
    %get3A_0 = arith.constant 0 : index
    %get3A_1 = vector.load %arg1[%get3A, %get3A_0] : memref<632x128xf32, #tpu.memory_space<vmem>>, vector<632x128xf32>
    %get3A_2 = arith.constant 0 : index
    %get3A_3 = arith.constant 0 : index
    %get3A_4 = vector.load %arg2[%get3A_2, %get3A_3] : memref<632x128xf32, #tpu.memory_space<vmem>>, vector<632x128xf32>
    %add3A = arith.addf %get3A_1, %get3A_4 : vector<632x128xf32>
    %slice3A = vector.extract_strided_slice %add3A {offsets = [0, 0], sizes = [632, 1], strides = [1, 1]} : vector<632x128xf32> to vector<632x1xf32>
    %swap3A = arith.constant 0 : index
    %swap3A_5 = arith.constant 0 : index
    %swap3A_6 = vector.load %arg3[%swap3A, %swap3A_5] : memref<632x1xf32, #tpu.memory_space<vmem>>, vector<632x1xf32>
    tpu.vector_store %arg3[%swap3A, %swap3A_5], %slice3A {strides = array<i32>} : memref<632x1xf32, #tpu.memory_space<vmem>>, vector<632x1xf32>,
    return
  }
  func.func @transform_0(%arg0: i32) -> (i32, i32) {
    %c0_i32 = arith.constant 0 : i32
    %c0_i32_0 = arith.constant 0 : i32
    return %arg0, %c0_i32 : i32, i32
  }
  func.func @transform_1(%arg0: i32) -> (i32, i32) {
    %c0_i32 = arith.constant 0 : i32
    %c0_i32_0 = arith.constant 0 : i32
    return %arg0, %c0_i32 : i32, i32
  }
  func.func @transform_2(%arg0: i32) -> (i32, i32) {
    %c0_i32 = arith.constant 0 : i32
    %c0_i32_0 = arith.constant 0 : i32
    return %arg0, %c0_i32 : i32, i32
  }
}

module attributes {stable_mosaic.version = 14 : i64} {
  func.func @_combine1_body(%arg0: i32, %arg1: memref<632x128xf32, #tpu.memory_space<vmem>>, %arg2: memref<632x128xf32, #tpu.memory_space<vmem>>, %arg3: memref<632x1xf32, #tpu.memory_space<vmem>>, %arg4: memref<632x128xf32, #tpu.memory_space<vmem>>, %arg5: memref<1x128xf32, #tpu.memory_space<vmem>>, %arg6: memref<632x128xf32, #tpu.memory_space<vmem>>) attributes {dimension_semantics = [#tpu.dimension_semantics<arbitrary>], iteration_bounds = array<i64: 16>, scalar_prefetch = 0 : i64, scratch_operands = 0 : i64, tpu.core_type = #tpu.core_type<tc>, window_params = [{transform_indices = @transform_0, window_bounds = array<i64: 632, 128>}, {transform_indices = @transform_1, window_bounds = array<i64: 632, 128>}, {transform_indices = @transform_2, window_bounds = array<i64: 632, 1>}, {transform_indices = @transform_3, window_bounds = array<i64: 632, 128>}, {pipeline_mode = #tpu.pipeline_mode<synchronous>, transform_indices = @transform_4, window_bounds = array<i64: 1, 128>}, {transform_indices = @transform_5, window_bounds = array<i64: 632, 128>}]} {
    %get3A = arith.constant 0 : index
    %get3A_0 = arith.constant 0 : index
    %get3A_1 = vector.load %arg3[%get3A, %get3A_0] : memref<632x1xf32, #tpu.memory_space<vmem>>, vector<632x1xf32>
    %max3A = arith.constant 1.000000e+00 : f32
    %max3A_2 = vector.broadcast %max3A : f32 to vector<632x1xf32>
    %max3A_3 = arith.maximumf %get3A_1, %max3A_2 : vector<632x1xf32>
    %get3A_4 = arith.constant 0 : index
    %get3A_5 = arith.constant 0 : index
    %get3A_6 = vector.load %arg1[%get3A_4, %get3A_5] : memref<632x128xf32, #tpu.memory_space<vmem>>, vector<632x128xf32>
    %get3A_7 = arith.constant 0 : index
    %get3A_8 = arith.constant 0 : index
    %get3A_9 = vector.load %arg2[%get3A_7, %get3A_8] : memref<632x128xf32, #tpu.memory_space<vmem>>, vector<632x128xf32>
    %add3A = arith.addf %get3A_6, %get3A_9 : vector<632x128xf32>
    %div3A = vector.broadcast %max3A_3 : vector<632x1xf32> to vector<632x128xf32>
    %div3A_10 = arith.divf %add3A, %div3A : vector<632x128xf32>
    %get3A_11 = arith.constant 0 : index
    %get3A_12 = arith.constant 0 : index
    %get3A_13 = vector.load %arg5[%get3A_11, %get3A_12] : memref<1x128xf32, #tpu.memory_space<vmem>>, vector<1x128xf32>
    %add3A_14 = vector.broadcast %get3A_13 : vector<1x128xf32> to vector<632x128xf32>
    %add3A_15 = arith.addf %div3A_10, %add3A_14 : vector<632x128xf32>
    %get3A_16 = arith.constant 0 : index
    %get3A_17 = arith.constant 0 : index
    %get3A_18 = vector.load %arg4[%get3A_16, %get3A_17] : memref<632x128xf32, #tpu.memory_space<vmem>>, vector<632x128xf32>
    %add3A_19 = arith.addf %add3A_15, %get3A_18 : vector<632x128xf32>
    %max3A_20 = arith.constant 0.000000e+00 : f32
    %max3A_21 = vector.broadcast %max3A_20 : f32 to vector<632x128xf32>
    %max3A_22 = arith.maximumf %add3A_19, %max3A_21 : vector<632x128xf32>
    %swap3A = arith.constant 0 : index
    %swap3A_23 = arith.constant 0 : index
    %swap3A_24 = vector.load %arg6[%swap3A, %swap3A_23] : memref<632x128xf32, #tpu.memory_space<vmem>>, vector<632x128xf32>
    tpu.vector_store %arg6[%swap3A, %swap3A_23], %max3A_22 {strides = array<i32>} : memref<632x128xf32, #tpu.memory_space<vmem>>, vector<632x128xf32>,
    return
  }
  func.func @transform_0(%arg0: i32) -> (i32, i32) {
    %c0_i32 = arith.constant 0 : i32
    %c0_i32_0 = arith.constant 0 : i32
    return %arg0, %c0_i32 : i32, i32
  }
  func.func @transform_1(%arg0: i32) -> (i32, i32) {
    %c0_i32 = arith.constant 0 : i32
    %c0_i32_0 = arith.constant 0 : i32
    return %arg0, %c0_i32 : i32, i32
  }
  func.func @transform_2(%arg0: i32) -> (i32, i32) {
    %c0_i32 = arith.constant 0 : i32
    %c0_i32_0 = arith.constant 0 : i32
    return %arg0, %c0_i32 : i32, i32
  }
  func.func @transform_3(%arg0: i32) -> (i32, i32) {
    %c0_i32 = arith.constant 0 : i32
    %c0_i32_0 = arith.constant 0 : i32
    return %arg0, %c0_i32 : i32, i32
  }
  func.func @transform_4(%arg0: i32) -> (i32, i32) {
    %c0_i32 = arith.constant 0 : i32
    %c0_i32_0 = arith.constant 0 : i32
    %c0_i32_1 = arith.constant 0 : i32
    return %c0_i32, %c0_i32_0 : i32, i32
  }
  func.func @transform_5(%arg0: i32) -> (i32, i32) {
    %c0_i32 = arith.constant 0 : i32
    %c0_i32_0 = arith.constant 0 : i32
    return %arg0, %c0_i32 : i32, i32
  }
}

module attributes {stable_mosaic.version = 14 : i64} {
  func.func @_combine2_body(%arg0: i32, %arg1: memref<632x128xf32, #tpu.memory_space<vmem>>, %arg2: memref<632x128xf32, #tpu.memory_space<vmem>>, %arg3: memref<632x1xf32, #tpu.memory_space<vmem>>, %arg4: memref<632x128xf32, #tpu.memory_space<vmem>>, %arg5: memref<128x256xf32, #tpu.memory_space<vmem>>, %arg6: memref<128x256xf32, #tpu.memory_space<vmem>>, %arg7: memref<1x256xf32, #tpu.memory_space<vmem>>, %arg8: memref<632x256xf32, #tpu.memory_space<vmem>>) attributes {dimension_semantics = [#tpu.dimension_semantics<arbitrary>], iteration_bounds = array<i64: 16>, scalar_prefetch = 0 : i64, scratch_operands = 0 : i64, tpu.core_type = #tpu.core_type<tc>, window_params = [{transform_indices = @transform_0, window_bounds = array<i64: 632, 128>}, {transform_indices = @transform_1, window_bounds = array<i64: 632, 128>}, {transform_indices = @transform_2, window_bounds = array<i64: 632, 1>}, {transform_indices = @transform_3, window_bounds = array<i64: 632, 128>}, {pipeline_mode = #tpu.pipeline_mode<synchronous>, transform_indices = @transform_4, window_bounds = array<i64: 128, 256>}, {pipeline_mode = #tpu.pipeline_mode<synchronous>, transform_indices = @transform_5, window_bounds = array<i64: 128, 256>}, {pipeline_mode = #tpu.pipeline_mode<synchronous>, transform_indices = @transform_6, window_bounds = array<i64: 1, 256>}, {transform_indices = @transform_7, window_bounds = array<i64: 632, 256>}]} {
    %get3A = arith.constant 0 : index
    %get3A_0 = arith.constant 0 : index
    %get3A_1 = vector.load %arg3[%get3A, %get3A_0] : memref<632x1xf32, #tpu.memory_space<vmem>>, vector<632x1xf32>
    %max3A = arith.constant 1.000000e+00 : f32
    %max3A_2 = vector.broadcast %max3A : f32 to vector<632x1xf32>
    %max3A_3 = arith.maximumf %get3A_1, %max3A_2 : vector<632x1xf32>
    %get3A_4 = arith.constant 0 : index
    %get3A_5 = arith.constant 0 : index
    %get3A_6 = vector.load %arg1[%get3A_4, %get3A_5] : memref<632x128xf32, #tpu.memory_space<vmem>>, vector<632x128xf32>
    %get3A_7 = arith.constant 0 : index
    %get3A_8 = arith.constant 0 : index
    %get3A_9 = vector.load %arg2[%get3A_7, %get3A_8] : memref<632x128xf32, #tpu.memory_space<vmem>>, vector<632x128xf32>
    %add3A = arith.addf %get3A_6, %get3A_9 : vector<632x128xf32>
    %div3A = vector.broadcast %max3A_3 : vector<632x1xf32> to vector<632x128xf32>
    %div3A_10 = arith.divf %add3A, %div3A : vector<632x128xf32>
    %get3A_11 = arith.constant 0 : index
    %get3A_12 = arith.constant 0 : index
    %get3A_13 = vector.load %arg5[%get3A_11, %get3A_12] : memref<128x256xf32, #tpu.memory_space<vmem>>, vector<128x256xf32>
    %dot_general3A = arith.constant dense<0.000000e+00> : vector<632x256xf32>
    %dot_general3A_14 = tpu.matmul %div3A_10, %get3A_13, %dot_general3A {dimension_numbers = #tpu.dot_dimension_numbers<[1], [0], [0], [1], [0, 0, 1, 1], [], []>, transpose_lhs_hint = false} : vector<632x128xf32>, vector<128x256xf32>, vector<632x256xf32> -> vector<632x256xf32>
    %get3A_15 = arith.constant 0 : index
    %get3A_16 = arith.constant 0 : index
    %get3A_17 = vector.load %arg4[%get3A_15, %get3A_16] : memref<632x128xf32, #tpu.memory_space<vmem>>, vector<632x128xf32>
    %get3A_18 = arith.constant 0 : index
    %get3A_19 = arith.constant 0 : index
    %get3A_20 = vector.load %arg6[%get3A_18, %get3A_19] : memref<128x256xf32, #tpu.memory_space<vmem>>, vector<128x256xf32>
    %dot_general3A_21 = arith.constant dense<0.000000e+00> : vector<632x256xf32>
    %dot_general3A_22 = tpu.matmul %get3A_17, %get3A_20, %dot_general3A_21 {dimension_numbers = #tpu.dot_dimension_numbers<[1], [0], [0], [1], [0, 0, 1, 1], [], []>, transpose_lhs_hint = false} : vector<632x128xf32>, vector<128x256xf32>, vector<632x256xf32> -> vector<632x256xf32>
    %add3A_23 = arith.addf %dot_general3A_14, %dot_general3A_22 : vector<632x256xf32>
    %get3A_24 = arith.constant 0 : index
    %get3A_25 = arith.constant 0 : index
    %get3A_26 = vector.load %arg7[%get3A_24, %get3A_25] : memref<1x256xf32, #tpu.memory_space<vmem>>, vector<1x256xf32>
    %add3A_27 = vector.broadcast %get3A_26 : vector<1x256xf32> to vector<632x256xf32>
    %add3A_28 = arith.addf %add3A_23, %add3A_27 : vector<632x256xf32>
    %swap3A = arith.constant 0 : index
    %swap3A_29 = arith.constant 0 : index
    %swap3A_30 = vector.load %arg8[%swap3A, %swap3A_29] : memref<632x256xf32, #tpu.memory_space<vmem>>, vector<632x256xf32>
    tpu.vector_store %arg8[%swap3A, %swap3A_29], %add3A_28 {strides = array<i32>} : memref<632x256xf32, #tpu.memory_space<vmem>>, vector<632x256xf32>,
    return
  }
  func.func @transform_0(%arg0: i32) -> (i32, i32) {
    %c0_i32 = arith.constant 0 : i32
    %c0_i32_0 = arith.constant 0 : i32
    return %arg0, %c0_i32 : i32, i32
  }
  func.func @transform_1(%arg0: i32) -> (i32, i32) {
    %c0_i32 = arith.constant 0 : i32
    %c0_i32_0 = arith.constant 0 : i32
    return %arg0, %c0_i32 : i32, i32
  }
  func.func @transform_2(%arg0: i32) -> (i32, i32) {
    %c0_i32 = arith.constant 0 : i32
    %c0_i32_0 = arith.constant 0 : i32
    return %arg0, %c0_i32 : i32, i32
  }
  func.func @transform_3(%arg0: i32) -> (i32, i32) {
    %c0_i32 = arith.constant 0 : i32
    %c0_i32_0 = arith.constant 0 : i32
    return %arg0, %c0_i32 : i32, i32
  }
  func.func @transform_4(%arg0: i32) -> (i32, i32) {
    %c0_i32 = arith.constant 0 : i32
    %c0_i32_0 = arith.constant 0 : i32
    %c0_i32_1 = arith.constant 0 : i32
    return %c0_i32, %c0_i32_0 : i32, i32
  }
  func.func @transform_5(%arg0: i32) -> (i32, i32) {
    %c0_i32 = arith.constant 0 : i32
    %c0_i32_0 = arith.constant 0 : i32
    %c0_i32_1 = arith.constant 0 : i32
    return %c0_i32, %c0_i32_0 : i32, i32
  }
  func.func @transform_6(%arg0: i32) -> (i32, i32) {
    %c0_i32 = arith.constant 0 : i32
    %c0_i32_0 = arith.constant 0 : i32
    %c0_i32_1 = arith.constant 0 : i32
    return %c0_i32, %c0_i32_0 : i32, i32
  }
  func.func @transform_7(%arg0: i32) -> (i32, i32) {
    %c0_i32 = arith.constant 0 : i32
    %c0_i32_0 = arith.constant 0 : i32
    return %arg0, %c0_i32 : i32, i32
  }
}

</mosaic_0001>

<sc_bundles>
// kernel: kernel.12.cloned.1.call-start
scs
__scs_entry_jumppad:
0x0: {  	(pc) =	sbr.rel $0x88, $3  }
0x1: {  	(tag) =	ssettag $0x0;
	lr =	simm.s32 $0x1  }
0x2: {  	[smem:$0x3F99] =	sst lr;
	_ =	strace $0xD0000000  }
0x3: {  	_ = 	snop  }
0x4: {  	_ = 	snop  }
0x5: {  	_ = 	snop  }
0x6: {  	_ = 	snop  }
0x7: {  	_ = 	snop  }
__scs_overlays_trampoline_lowered:
0x8: {  	[smem:$0x3FA8] =	sst s0  }
0x9: {  	[smem:$0x3FA9] =	sst s1  }
0xa: {  	[smem:$0x3FAA] =	sst s2  }
0xb: {  	[smem:$0x3FAB] =	sst s3  }
0xc: {  	[smem:$0x3FAC] =	sst s4  }
0xd: {  	[smem:$0x3FAD] =	sst s5  }
0xe: {  	[smem:$0x3FAE] =	sst s6  }
0xf: {  	[smem:$0x3FAF] =	sst s7  }
0x10: {  	[smem:$0x3FB0] =	sst s8  }
0x11: {  	[smem:$0x3FB1] =	sst s9;
	s0 =	simm.s32 @!p0 $0x0  }
0x12: {  	s1 =	sld [smem:$0x3F97];
	s0 =	simm.s32 @p0 $0x1  }
0x13: {  	[smem:$0x3FB2] =	sst s0;
	s0 =	simm.s32 @!p1 $0x0  }
0x14: {  	s2 =	sld [smem:$0x3F96];
	s0 =	simm.s32 @p1 $0x1  }
0x15: {  	[smem:$0x3FB3] =	sst s0;
	s0 =	simm.s32 @!p2 $0x0  }
0x16: {  	s3 =	sld [smem:$0x3FDB];
	s0 =	simm.s32 @p2 $0x1  }
0x17: {  	s4 =	simm.s32 $0x1BF5;
	[smem:$0x3FB5] =	sst s0  }
0x18: {  	s0 =	sld [smem:$0x3F98];
	_ =	swait.ge [sflag:s4], $0x0  }
0x19: {  	s7 =	sld [smem:$0x3F99]  }
0x1a: {  	s8 =	sadd.s32 $0xFFFFE003, lr  }
0x1b: {  	s9 =	sadd.s32 $0xFFFFFEF7, lr;
	s5 =	simm.s32 $0xFFFFFFFF;
	p2 =	slt.u32 s8, $0xFFFFF086  }
0x1c: {  	p1 =	slt.u32 s9, $0xF7A;
	s5 =	simm.s32 @!p2 $0x0  }
0x1d: {  	s5 =	simm.s32 @p1 $0x1;
	p0 =	seq.s32 s7, s2  }
0x1e: {  	s7 =	smul.u32 @!p0 $0xF7A, s2;
	p2 =	seq.s32 @!p0 s5, $0x0  }
0x1f: {  	s9 =	smul.u32 $0xF7A, s1;
	s8 =	simm.s32 @!p0 $0x1BF5;
	p2 =	por !p2, p0  }
0x20: {  	[sflag:s8] =	ssyncset.s32 @!p0 $0xFFFFF086;
	s6 =	sadd.s32 @!p0 s3, s7;
	s7 =	simm.s32 @!p0 $0x108  }
0x21: {  	s3 =	sadd.s32 s3, s9;
	s6 =	sadd.s32 @!p0 $0x88, s6;
	s7 =	simm.s32 @p2 $0x1082  }
0x22: {  	[simem:s7], [sflag:s8] =	dma.local @!p0 [hbm:s6], $0xF7A  }
0x23: {  	s9 =	sor.u32 $0xD0000000, s2;
	s6 =	simm.s32 $0x108;
	_ =	swait.ge @!p0 [sflag:s8], $0x0  }
0x24: {  	s3 =	sadd.s32 $0x88, s3;
	s6 =	simm.s32 @!p1 $0x1082;
	[sflag:s4] =	ssyncset.s32 $0xFFFFF086  }
0x25: {  	[simem:s6], [sflag:s4] =	dma.local [hbm:s3], $0xF7A  }
0x26: {  	[smem:$0x3F99] =	sst s1;
	(tag) =	ssettag s2;
	_ =	strace s9  }
0x27: {  	s1 =	sld [smem:$0x3FA9]  }
0x28: {  	s2 =	sld [smem:$0x3FAA]  }
0x29: {  	s4 =	sld [smem:$0x3FAC]  }
0x2a: {  	p0 =	seq.s32 s5, $0x0;
	s5 =	sld [smem:$0x3FAD]  }
0x2b: {  	s6 =	sld [smem:$0x3FAE]  }
0x2c: {  	s7 =	sld [smem:$0x3FAF]  }
0x2d: {  	s3 =	simm.s32 $0x108;
	s8 =	sld [smem:$0x3FB0]  }
0x2e: {  	s3 =	simm.s32 @!p0 $0x1082;
	s9 =	sld [smem:$0x3FB1]  }
0x2f: {  	lr =	sadd.s32 s0, s3;
	s0 =	sld [smem:$0x3FA8]  }
0x30: {  	s3 =	sld [smem:$0x3FAB]  }
0x31: {  	[smem:$0x3FB4] =	sst s10  }
0x32: {  	s10 =	sld [smem:$0x3FB2];
	_ =	sdelay $0x3  }
0x33: {  	p0 =	seq.s32 s10, $0x1;
	s10 =	sld [smem:$0x3FB4];
	_ =	sdelay $0x3  }
0x34: {  	[smem:$0x3FB4] =	sst s10  }
0x35: {  	s10 =	sld [smem:$0x3FB3];
	_ =	sdelay $0x3  }
0x36: {  	p1 =	seq.s32 s10, $0x1;
	s10 =	sld [smem:$0x3FB4];
	_ =	sdelay $0x3  }
0x37: {  	[smem:$0x3FB4] =	sst s10  }
0x38: {  	s10 =	sld [smem:$0x3FB5]  }
0x39: {  	_ = 	snop;
	(pc) =	sbr.ind lr, $3  }
0x3a: {  	_ = 	snop  }
0x3b: {  	_ = 	snop  }
0x3c: {  	p2 =	seq.s32 s10, $0x1;
	s10 =	sld [smem:$0x3FB4]  }
0x3d: {  	_ =	shalt  }
0x3e: {  	_ =	shalt  }
0x3f: {  	_ =	shalt  }
0x40: {  	_ =	shalt  }
0x41: {  	_ =	shalt  }
0x42: {  	_ =	shalt  }
0x43: {  	_ =	shalt  }
0x44: {  	_ =	shalt  }
0x45: {  	_ =	shalt  }
0x46: {  	_ =	shalt  }
0x47: {  	_ =	shalt  }
0x48: {  	_ =	shalt  }
0x49: {  	_ =	shalt  }
0x4a: {  	_ =	shalt  }
0x4b: {  	_ =	shalt  }
0x4c: {  	_ =	shalt  }
0x4d: {  	_ =	shalt  }
0x4e: {  	_ =	shalt  }
0x4f: {  	_ =	shalt  }
0x50: {  	_ =	shalt  }
0x51: {  	_ =	shalt  }
0x52: {  	_ =	shalt  }
0x53: {  	_ =	shalt  }
0x54: {  	_ =	shalt  }
0x55: {  	_ =	shalt  }
0x56: {  	_ =	shalt  }
0x57: {  	_ =	shalt  }
0x58: {  	_ =	shalt  }
0x59: {  	_ =	shalt  }
0x5a: {  	_ =	shalt  }
0x5b: {  	_ =	shalt  }
0x5c: {  	_ =	shalt  }
0x5d: {  	_ =	shalt  }
0x5e: {  	_ =	shalt  }
0x5f: {  	_ =	shalt  }
0x60: {  	_ =	shalt  }
0x61: {  	_ =	shalt  }
0x62: {  	_ =	shalt  }
0x63: {  	_ =	shalt  }
0x64: {  	_ =	shalt  }
0x65: {  	_ =	shalt  }
0x66: {  	_ =	shalt  }
0x67: {  	_ =	shalt  }
0x68: {  	_ =	shalt  }
0x69: {  	_ =	shalt  }
0x6a: {  	_ =	shalt  }
0x6b: {  	_ =	shalt  }
0x6c: {  	_ =	shalt  }
0x6d: {  	_ =	shalt  }
0x6e: {  	_ =	shalt  }
0x6f: {  	_ =	shalt  }
0x70: {  	_ =	shalt  }
0x71: {  	_ =	shalt  }
0x72: {  	_ =	shalt  }
0x73: {  	_ =	shalt  }
0x74: {  	_ =	shalt  }
0x75: {  	_ =	shalt  }
0x76: {  	_ =	shalt  }
0x77: {  	_ =	shalt  }
0x78: {  	_ =	shalt  }
0x79: {  	_ =	shalt  }
0x7a: {  	_ =	shalt  }
0x7b: {  	_ =	shalt  }
0x7c: {  	_ =	shalt  }
0x7d: {  	_ =	shalt  }
0x7e: {  	_ =	shalt  }
0x7f: {  	_ =	shalt  }
0x80: {  	_ =	shalt  }
0x81: {  	_ =	shalt  }
0x82: {  	_ =	shalt  }
0x83: {  	_ =	shalt  }
0x84: {  	_ =	shalt  }
0x85: {  	_ =	shalt  }
0x86: {  	_ =	shalt  }
0x87: {  	_ =	shalt  }
.Lfunc_end0:
.L_simem_size_0:
called_computation.1_lowered:
.L_overlay_start_0:
0x88: {  	s2 =	sld [smem:$0x3FD9]  }
0x89: {  	s3 =	sld [smem:$0x3FFE];
	_ =	sdelay $0x1  }
0x8a: {  	s1 =	srdreg.scid  }
0x8b: {  	s0 =	sand.u32 $0x1, s1  }
0x8c: {  	s17 =	sshll.u32 s0, $0xA;
	s2 =	sadd.s32 s3, s2  }
0x8d: {  	s2 =	sadd.s32 s2, s17  }
0x8e: {  	[smem:$0x3FC0] =	sst s2  }
0x8f: {  	_ = 	snop  }
0x90: {  	s18 =	sld [smem:$0x3FD0];
	(tm) =	ssettm $0x1  }
0x91: {  	s19 =	sld [smem:$0x3FFB];
	_ =	sdelay $0x3  }
0x92: {  	_ =	strace s19  }
0x93: {  	s2 =	sld [smem:$0x3FFC];
	_ =	sdelay $0x3  }
0x94: {  	_ =	strace s2  }
0x95: {  	s2 =	sld [smem:$0x3FFD];
	_ =	sdelay $0x3  }
0x96: {  	_ =	strace s2  }
0x97: {  	_ =	strace $0x8FFFFFFF  }
0x98: {  	s20 =	sld [smem:$0x3FDB];
	_ =	sdelay $0x1  }
0x99: {  	s4 =	simm.s32 $_scs_section_size  }
0x9a: {  	s5 =	simm.s32 $_size__tile_overlayer_lowered;
	s6 =	simm.s32 $_tile_overlayer_lowered  }
0x9b: {  	s7 =	simm.s32 $0x1BFF;
	s21 =	sshll.u32 s6, $0x1;
	s4 =	sadd.s32 s4, s20  }
0x9c: {  	s22 =	simm.s32 $0x0;
	s5 =	sshll.u32 s5, $0x1;
	s6 =	sadd.s32 s21, s4  }
0x9d: {  	[timem:s22], [sflag:s7] =	dma.local [hbm:s6], s5  }
0x9e: {  	_ =	swait.ge [sflag:s7], s5  }
0x9f: {  	s5 =	ssub.s32 $0x0, s5;
	[sflag:s7] =	ssyncset.done $0x0  }
0xa0: {  	[sflag:s7] =	ssyncadd.s32 s5;
	_ =	sdelay $0x1  }
0xa1: {  	s23 =	simm.s32 $0x1B8B  }
0xa2: {  	_ =	swait.ge [sflag:s23], $0x1  }
0xa3: {  	[sflag:s23] =	ssyncset.done $0x0  }
0xa4: {  	[sflag:s23] =	ssyncadd.s32 $0xFFFFFFFF  }
0xa5: {  	s5 =	sld [smem:$0x0]  }
0xa6: {  	s6 =	sand.u32 $0xFFFFFFFE, s1  }
0xa7: {  	p0 =	sne.s32 s1, s6  }
0xa8: {  	s6 =	sshll.u32 @p0 s6, $0xE  }
0xa9: {  	s6 =	sadd.s32 @p0 $0x11B8D, s6;
	s7 =	sshll.u32 @p0 s5, $0x11  }
0xaa: {  	s6 =	sor.u32 @p0 s7, s6  }
0xab: {  	[sflag:s6] =	ssyncadd.remote.s32 @p0 $0x1;
	_ =	sdelay $0x1  }
0xac: {  	s6 =	simm.s32 @p0 $0x1B8D  }
0xad: {  	_ =	swait.eq @p0 [sflag:s6], $0x1  }
0xae: {  	[sflag:s6] =	ssyncadd.s32 @p0 $0xFFFFFFFF  }
0xaf: {  	s7 =	sshll.u32 @!p0 s1, $0xE  }
0xb0: {  	s7 =	sor.u32 @!p0 $0x4000, s7;
	s6 =	simm.s32 @!p0 $0x1B8D  }
0xb1: {  	s5 =	sshll.u32 @!p0 s5, $0x11;
	s7 =	sadd.s32 @!p0 $0x11B8D, s7;
	_ =	swait.eq @!p0 [sflag:s6], $0x1  }
0xb2: {  	s5 =	sor.u32 @!p0 s5, s7;
	[sflag:s6] =	ssyncadd.s32 @!p0 $0xFFFFFFFF  }
0xb3: {  	s25 =	simm.s32 $0x1B8E;
	s24 =	sld [smem:$0x3FFE];
	[sflag:s5] =	ssyncadd.remote.s32 @!p0 $0x1  }
0xb4: {  	s26 =	simm.s32 $execute0_lowered;
	[smem:$0x3FD2] =	sst s25  }
0xb5: {  	s6 =	sshll.u32 s26, $0x1;
	_ =	strace $0x80000049;
	[dreg:$0x1] =	wrdreg $0xFFFFFFFF  }
0xb6: {  	s28 =	simm.s32 $_size_execute0_lowered;
	s4 =	sadd.s32 s4, s6;
	[dreg:$0x0] =	wrdreg $0x0  }
0xb7: {  	s6 =	sshll.u32 s28, $0x1;
	[dreg:$0x2] =	wrdreg s4  }
0xb8: {  	[dreg:$0x3] =	wrdreg s6  }
0xb9: {  	[dreg:$0x4] =	wrdreg $0xC0  }
0xba: {  	_ =	task [dreg:s22], $0x5FFFF  }
0xbb: {  	[dreg:$0x1] =	wrdreg $0xFFFFFFFF  }
0xbc: {  	[dreg:$0x0] =	wrdreg $0x60  }
0xbd: {  	[dreg:$0x2] =	wrdreg s18  }
0xbe: {  	[dreg:$0x3] =	wrdreg s24  }
0xbf: {  	[dreg:$0x4] =	wrdreg $0x0  }
0xc0: {  	[dreg:$0x5] =	wrdreg $0xA  }
0xc1: {  	_ =	task.clear_ibuf [dreg:s22], $0x6FFFF;
	_ =	strace $0x90000049  }
0xc2: {  	s29 =	simm.s32 $0xA;
	_ =	strace $0x8000004B  }
0xc3: {  	_ =	swait.ge [sflag:s29], $0x1  }
0xc4: {  	[sflag:s29] =	ssyncadd.s32 $0xFFFFFFFF  }
0xc5: {  	_ =	strace $0x9000004B  }
0xc6: {  	_ =	sfence  }
0xc7: {  	s30 =	sld [smem:$0x0];
	_ =	sdelay $0x2  }
0xc8: {  	s31 =	sshll.u32 s1, $0xD;
	s1 =	sshrl.u32 s1, $0x2  }
0xc9: {  	s4 =	sand.u32 $0x4000, s31;
	s1 =	sadd.s32 s1, s30  }
0xca: {  	s0 =	sor.u32 s4, s0;
	s1 =	sshll.u32 s1, $0x11  }
0xcb: {  	s0 =	sor.u32 s1, s0  }
0xcc: {  	s0 =	sadd.s32 $0x8F2B, s0  }
0xcd: {  	[sflag:s0] =	ssyncadd.remote.s32 $0x1  }
0xce: {  	_ =	sfence.sel $0xFFFF  }
0xcf: {  	[dreg:$0x0] =	wrdreg $0xFFFFFFFF;
	(pc) =	sbr.abs _section_cstart, $3  }
0xd0: {  	[dreg:$0x1] =	wrdreg $0xFFFFFFFF  }
0xd1: {  	_ =	task.clear_ibuf [dreg:s22], $0x2FFFF;
	_ =	strace $0x9FFFFFFF  }
0xd2: {  	(tm) =	ssettm $0x7FFFFFFF  }
0xd3: {  	_ =	shalt  }
tec
execute0_lowered:
.L_overlay_start_1:
0x0: {  	(tag) =	ssettag $0x1  }
0x1: {  	s1 =	rddreg [dreg:$0x0]  }
0x2: {  	s6 =	rddreg [dreg:$0x1]  }
0x3: {  	s2 =	rddreg [dreg:$0x2];
	s3 =	srdreg.scid  }
0x4: {  	s4 =	simm.s32 $0x0;
	s14 =	simm.s32 $0x5;
	s15 =	simm.s32 $0x15C00  }
0x5: {  	s18 =	simm.s32 $0x80;
	s19 =	simm.s32 $0x17C00;
	s20 =	simm.s32 $0x13C80  }
0x6: {  	s21 =	simm.s32 $0x1BC00;
	s22 =	simm.s32 $0x1;
	s23 =	simm.s32 $0x2  }
0x7: {  	s24 =	simm.s32 $0x3;
	s7 =	sand.u32 $0x1, s3;
	s3 =	stileid.u32  }
0x8: {  	s25 =	simm.s32 $0x4;
	[smem:$0x7FF] =	sst s4;
	s5 =	smul.u32 $0x13C000, s7  }
0x9: {  	s8 =	sshll.u32 s7, $0xE;
	s9 =	sshll.u32 s3, $0xA;
	s10 =	smul.u32 $0x13C00, s3  }
0xa: {  	_ =	strace $0x8000004A;
	s28 =	ssub.s32 $0x2, s7;
	s30 =	smul.u32 $0x4F000, s3  }
0xb: {  	p0 =	seq.s32 s7, $0x0;
	s16 =	sshll.u32 s3, $0x6;
	s8 =	sor.u32 s9, s8  }
0xc: {  	s29 =	sshrl.u32 s28, $0x1;
	s16 =	sor.u32 $0x1C05, s16;
	s8 =	sadd.s32 s8, s6  }
0xd: {  	s26 =	sadd.s32 s10, s5;
	s5 =	sadd.s32 $0x8A00, s6;
	s10 =	simm.s32 $0x3C  }
0xe: {  	s12 =	ssub.s32 s28, s29;
	s9 =	sshrl.u32 s26, $0x3;
	s10 =	simm.s32 @!p0 $0x14  }
0xf: {  	s7 =	sadd.s32 $0x82200, s8;
	s26 =	simm.s32 $0x0;
	s11 =	sadd.s32 s9, s6  }
0x10: {  	s6 =	sadd.s32 $0x8A200, s8;
	s9 =	sshrl.u32 s30, $0x2;
	s31 =	sshll.u32 s10, $0x7  }
0x11: {  	s13 =	sshrl.u32 s10, $0x1;
	s17 =	sadd.s32 s9, s2;
	s8 =	sadd.s32 $0x15B00, s31  }
0x12: {  	s9 =	sadd.s32 $0x15B80, s31;
	s10 =	sadd.s32 $0x92200, s11;
	s11 =	smax.u32 s12, $0x1  }
0x13: {  	s12 =	sadd.s32 $0xFFFFFFFF, s13;
	s13 =	simm.s32 $0x13C00;
	s17 =	sshrl.u32 s17, $0x3  }
.LBB2_1:
0x14: {  	[tilespmem:s13], [sflag:$0x5] =	stream.linear.gather [hbm4b:s6+s4], $0x1E00, $0x38;
	[tilespmem:$0x1FC00] =	vst v63  }
0x15: {  	_ =	swait.ge [sflag:s14], $0x1E00  }
0x16: {  	[sflag:s14] =	ssyncset.done $0x0  }
0x17: {  	[sflag:s14] =	ssyncadd.s32 $0xFFFFE200  }
0x18: {  	[tilespmem:s15], [sflag:$0x5] =	stream.linear.gather [hbm4b:s7+s4], $0x1E00, $0x38;
	[tilespmem:$0x1FC00] =	vst v63  }
0x19: {  	_ =	swait.ge [sflag:s14], $0x1E00  }
0x1a: {  	[sflag:s14] =	ssyncset.done $0x0  }
0x1b: {  	[sflag:s14] =	ssyncadd.s32 $0xFFFFE200  }
0x1c: {  	[spmem:s17], [sflag:s16] =	dma.local [hbm:s5], $0x2780  }
0x1d: {  	_ =	swait.ge [sflag:s14], $0x2780  }
0x1e: {  	[sflag:s14] =	ssyncset.done $0x0  }
0x1f: {  	[sflag:s14] =	ssyncadd.s32 $0xFFFFD880  }
0x20: {  	[bflag:$0x0] =	sbarrier.arrive $0xFFFF  }
0x21: {  	[tilespmem:s19], [sflag:$0x1] =	stream.indirect.gather [hbm4b:s1+s18], $0x80, s13, s18, $0xb8;
	[tilespmem:$0x1FC00] =	vst v63  }
0x22: {  	_ = 	snop  }
0x23: {  	[tilespmem:s21], [sflag:$0x2] =	stream.indirect.gather [hbm4b:s1+s18], $0x80, s20, s18, $0xb8;
	[tilespmem:$0x1FC00] =	vst v63  }
0x24: {  	_ =	swait.ge [sflag:s22], $0x4000  }
0x25: {  	[sflag:s22] =	ssyncset.done $0x0  }
0x26: {  	s28 =	simm.s32 $0x15C00;
	[sflag:s22] =	ssyncadd.s32 $0xFFFFC000  }
0x27: {  	[spmem:s2] =	stream.indirect.scatter.add.f32 [tilespmem:s19], [sflag:$0x3], $0x80, s28, s18, $0xb8;
	[tilespmem:$0x1FC00] =	vst v63  }
0x28: {  	_ =	swait.ge [sflag:s23], $0x4000  }
0x29: {  	[sflag:s23] =	ssyncset.done $0x0  }
0x2a: {  	s28 =	simm.s32 $0x15C80;
	[sflag:s23] =	ssyncadd.s32 $0xFFFFC000  }
0x2b: {  	[spmem:s2] =	stream.indirect.scatter.add.f32 [tilespmem:s21], [sflag:$0x4], $0x80, s28, s18, $0xb8;
	[tilespmem:$0x1FC00] =	vst v63  }
0x2c: {  	_ =	swait.ge [sflag:s24], $0x4000  }
0x2d: {  	p0 =	sne.s32 s12, $0x1;
	[sflag:s24] =	ssyncset.done $0x0  }
.Ltmp0:
0x2e: {  	s28 =	simm.s32 $0x13D00;
	[sflag:s24] =	ssyncadd.s32 $0xFFFFC000;
	(pc) =	sbr.rel @!p0 .LBB2_3-.Ltmp0, $4  }
0x2f: {  	[tilespmem:s19], [sflag:$0x1] =	stream.indirect.gather [hbm4b:s1+s18], $0x80, s28, s18, $0xb8;
	[tilespmem:$0x1FC00] =	vst v63  }
0x30: {  	_ =	swait.ge [sflag:s25], $0x4000  }
0x31: {  	s29 =	simm.s32 $0x13D80;
	s30 =	simm.s32 $0x13E80;
	[sflag:s25] =	ssyncset.done $0x0  }
0x32: {  	s31 =	simm.s32 $0x15D80;
	s28 =	sadd.s32 $0xFFFFFFFF, s12;
	[sflag:s25] =	ssyncadd.s32 $0xFFFFC000  }
.LBB2_2:
0x33: {  	[tilespmem:s21], [sflag:$0x2] =	stream.indirect.gather [hbm4b:s1+s18], $0x80, s29, s18, $0xb8;
	[tilespmem:$0x1FC00] =	vst v63  }
0x34: {  	p0 =	sne.s32 s28, $0x1;
	s28 =	sadd.s32 $0xFFFFFFFF, s28;
	_ =	swait.ge [sflag:s22], $0x4000  }
0x35: {  	s29 =	smov.u32 s30;
	[sflag:s22] =	ssyncset.done $0x0  }
0x36: {  	s0 =	sadd.s32 $0xFFFFFF80, s31;
	[sflag:s22] =	ssyncadd.s32 $0xFFFFC000  }
0x37: {  	[spmem:s2] =	stream.indirect.scatter.add.f32 [tilespmem:s19], [sflag:$0x3], $0x80, s0, s18, $0xb8;
	[tilespmem:$0x1FC00] =	vst v63  }
0x38: {  	_ =	swait.ge [sflag:s23], $0x4000  }
0x39: {  	[sflag:s23] =	ssyncset.done $0x0  }
0x3a: {  	[sflag:s23] =	ssyncadd.s32 $0xFFFFC000  }
0x3b: {  	[spmem:s2] =	stream.indirect.scatter.add.f32 [tilespmem:s21], [sflag:$0x4], $0x80, s31, s18, $0xb8;
	[tilespmem:$0x1FC00] =	vst v63  }
0x3c: {  	_ =	swait.ge [sflag:s24], $0x4000  }
0x3d: {  	[sflag:s24] =	ssyncset.done $0x0  }
.Ltmp1:
0x3e: {  	s0 =	sadd.s32 $0xFFFFFF80, s30;
	[sflag:s24] =	ssyncadd.s32 $0xFFFFC000;
	(pc) =	sbr.rel @p0 .LBB2_2-.Ltmp1, $4  }
0x3f: {  	[tilespmem:s19], [sflag:$0x1] =	stream.indirect.gather [hbm4b:s1+s18], $0x80, s0, s18, $0xb8;
	[tilespmem:$0x1FC00] =	vst v63  }
0x40: {  	_ =	swait.ge [sflag:s25], $0x4000  }
0x41: {  	[sflag:s25] =	ssyncset.done $0x0  }
0x42: {  	s30 =	sadd.s32 $0x100, s30;
	s31 =	sadd.s32 $0x100, s31;
	[sflag:s25] =	ssyncadd.s32 $0xFFFFC000  }
.LBB2_3:
0x43: {  	[tilespmem:s21], [sflag:$0x2] =	stream.indirect.gather [hbm4b:s1+s18], $0x80, s29, s18, $0xb8;
	[tilespmem:$0x1FC00] =	vst v63  }
0x44: {  	_ =	swait.ge [sflag:s22], $0x4000  }
0x45: {  	[sflag:s22] =	ssyncset.done $0x0  }
0x46: {  	[sflag:s22] =	ssyncadd.s32 $0xFFFFC000  }
0x47: {  	[spmem:s2] =	stream.indirect.scatter.add.f32 [tilespmem:s19], [sflag:$0x3], $0x80, s8, s18, $0xb8;
	[tilespmem:$0x1FC00] =	vst v63  }
0x48: {  	_ =	swait.ge [sflag:s23], $0x4000  }
0x49: {  	[sflag:s23] =	ssyncset.done $0x0  }
0x4a: {  	[sflag:s23] =	ssyncadd.s32 $0xFFFFC000  }
0x4b: {  	[spmem:s2] =	stream.indirect.scatter.add.f32 [tilespmem:s21], [sflag:$0x4], $0x80, s9, s18, $0xb8;
	[tilespmem:$0x1FC00] =	vst v63  }
0x4c: {  	_ =	swait.ge [sflag:s24], $0x4000  }
0x4d: {  	[sflag:s24] =	ssyncset.done $0x0  }
0x4e: {  	[sflag:s24] =	ssyncadd.s32 $0xFFFFC000  }
0x4f: {  	_ =	swait.ge [sflag:s25], $0x4000  }
0x50: {  	s26 =	sadd.s32 $0x1, s26;
	[sflag:s25] =	ssyncset.done $0x0  }
0x51: {  	p0 =	sne.s32 s26, s11;
	[sflag:s25] =	ssyncadd.s32 $0xFFFFC000  }
.Ltmp2:
0x52: {  	[bflag:$0x0] =	sbarrier.arrive $0xFFFF;
	(pc) =	sbr.rel @p0 .LBB2_1-.Ltmp2, $4  }
0x53: {  	[hbm:s10], [sflag:s16] =	dma.local [spmem:s17], $0x2780  }
0x54: {  	_ =	swait.ge [sflag:s14], $0x2780  }
0x55: {  	[sflag:s14] =	ssyncset.done $0x0  }
0x56: {  	[sflag:s14] =	ssyncadd.s32 $0xFFFFD880  }
0x57: {  	_ =	sfence.sel $0x180000  }
0x58: {  	[bflag:$0x0] =	sbarrier.arrive $0xFFFF  }
0x59: {  	_ =	strace $0x9000004A  }
0x5a: {  	[bflag:$0x2] =	sbarrier.arrive $0xFFFF  }
0x5b: {  	p0 =	sne.s32 s3, $0x0;
	s0 =	rddreg [dreg:$0x3]  }
0x5c: {  	s0 =	sadd.s32 @!p0 $0x100000, s0  }
0x5d: {  	[sflag:s0] =	ssyncadd.tile.s32 @!p0 $0x1;
	_ =	shalt  }
.Lfunc_end2:
_tile_overlayer_lowered:
.L_overlay_start_2:
0x5e: {  	(tag) =	ssettag $0x2  }
0x5f: {  	s0 =	rddreg [dreg:$0x0];
	s2 =	stileid.u32  }
0x60: {  	s1 =	rddreg [dreg:$0x1];
	p0 =	sne.s32 s2, $0x0  }
0x61: {  	s3 =	rddreg [dreg:$0x2];
	[bflag:$0x3] =	sbarrier.arrive $0xFFFF;
	s2 =	simm.s32 @!p0 $0x1C05  }
0x62: {  	[timem:s3], [sflag:s2] =	dma.local @!p0 [hbm:s0], s1  }
0x63: {  	s0 =	simm.s32 @!p0 $0x5  }
0x64: {  	_ =	swait.ge @!p0 [sflag:s0], s1  }
0x65: {  	s1 =	ssub.s32 @!p0 $0x0, s1;
	[sflag:s0] =	ssyncset.done @!p0 $0x0  }
0x66: {  	[sflag:s0] =	ssyncadd.s32 @!p0 s1  }
0x67: {  	[bflag:$0x3] =	sbarrier.arrive $0xFFFF  }
0x68: {  	_ =	shalt  }

// kernel: kernel.15.cloned.1.call-start
scs
__scs_entry_jumppad:
0x0: {  	(pc) =	sbr.rel $0x88, $3  }
0x1: {  	(tag) =	ssettag $0x0;
	lr =	simm.s32 $0x1  }
0x2: {  	[smem:$0x3F99] =	sst lr;
	_ =	strace $0xD0000000  }
0x3: {  	_ = 	snop  }
0x4: {  	_ = 	snop  }
0x5: {  	_ = 	snop  }
0x6: {  	_ = 	snop  }
0x7: {  	_ = 	snop  }
__scs_overlays_trampoline_lowered:
0x8: {  	[smem:$0x3FA8] =	sst s0  }
0x9: {  	[smem:$0x3FA9] =	sst s1  }
0xa: {  	[smem:$0x3FAA] =	sst s2  }
0xb: {  	[smem:$0x3FAB] =	sst s3  }
0xc: {  	[smem:$0x3FAC] =	sst s4  }
0xd: {  	[smem:$0x3FAD] =	sst s5  }
0xe: {  	[smem:$0x3FAE] =	sst s6  }
0xf: {  	[smem:$0x3FAF] =	sst s7  }
0x10: {  	[smem:$0x3FB0] =	sst s8  }
0x11: {  	[smem:$0x3FB1] =	sst s9;
	s0 =	simm.s32 @!p0 $0x0  }
0x12: {  	s1 =	sld [smem:$0x3F97];
	s0 =	simm.s32 @p0 $0x1  }
0x13: {  	[smem:$0x3FB2] =	sst s0;
	s0 =	simm.s32 @!p1 $0x0  }
0x14: {  	s2 =	sld [smem:$0x3F96];
	s0 =	simm.s32 @p1 $0x1  }
0x15: {  	[smem:$0x3FB3] =	sst s0;
	s0 =	simm.s32 @!p2 $0x0  }
0x16: {  	s3 =	sld [smem:$0x3FDB];
	s0 =	simm.s32 @p2 $0x1  }
0x17: {  	s4 =	simm.s32 $0x1BF5;
	[smem:$0x3FB5] =	sst s0  }
0x18: {  	s0 =	sld [smem:$0x3F98];
	_ =	swait.ge [sflag:s4], $0x0  }
0x19: {  	s7 =	sld [smem:$0x3F99]  }
0x1a: {  	s8 =	sadd.s32 $0xFFFFE003, lr  }
0x1b: {  	s9 =	sadd.s32 $0xFFFFFEF7, lr;
	s5 =	simm.s32 $0xFFFFFFFF;
	p2 =	slt.u32 s8, $0xFFFFF086  }
0x1c: {  	p1 =	slt.u32 s9, $0xF7A;
	s5 =	simm.s32 @!p2 $0x0  }
0x1d: {  	s5 =	simm.s32 @p1 $0x1;
	p0 =	seq.s32 s7, s2  }
0x1e: {  	s7 =	smul.u32 @!p0 $0xF7A, s2;
	p2 =	seq.s32 @!p0 s5, $0x0  }
0x1f: {  	s9 =	smul.u32 $0xF7A, s1;
	s8 =	simm.s32 @!p0 $0x1BF5;
	p2 =	por !p2, p0  }
0x20: {  	[sflag:s8] =	ssyncset.s32 @!p0 $0xFFFFF086;
	s6 =	sadd.s32 @!p0 s3, s7;
	s7 =	simm.s32 @!p0 $0x108  }
0x21: {  	s3 =	sadd.s32 s3, s9;
	s6 =	sadd.s32 @!p0 $0x88, s6;
	s7 =	simm.s32 @p2 $0x1082  }
0x22: {  	[simem:s7], [sflag:s8] =	dma.local @!p0 [hbm:s6], $0xF7A  }
0x23: {  	s9 =	sor.u32 $0xD0000000, s2;
	s6 =	simm.s32 $0x108;
	_ =	swait.ge @!p0 [sflag:s8], $0x0  }
0x24: {  	s3 =	sadd.s32 $0x88, s3;
	s6 =	simm.s32 @!p1 $0x1082;
	[sflag:s4] =	ssyncset.s32 $0xFFFFF086  }
0x25: {  	[simem:s6], [sflag:s4] =	dma.local [hbm:s3], $0xF7A  }
0x26: {  	[smem:$0x3F99] =	sst s1;
	(tag) =	ssettag s2;
	_ =	strace s9  }
0x27: {  	s1 =	sld [smem:$0x3FA9]  }
0x28: {  	s2 =	sld [smem:$0x3FAA]  }
0x29: {  	s4 =	sld [smem:$0x3FAC]  }
0x2a: {  	p0 =	seq.s32 s5, $0x0;
	s5 =	sld [smem:$0x3FAD]  }
0x2b: {  	s6 =	sld [smem:$0x3FAE]  }
0x2c: {  	s7 =	sld [smem:$0x3FAF]  }
0x2d: {  	s3 =	simm.s32 $0x108;
	s8 =	sld [smem:$0x3FB0]  }
0x2e: {  	s3 =	simm.s32 @!p0 $0x1082;
	s9 =	sld [smem:$0x3FB1]  }
0x2f: {  	lr =	sadd.s32 s0, s3;
	s0 =	sld [smem:$0x3FA8]  }
0x30: {  	s3 =	sld [smem:$0x3FAB]  }
0x31: {  	[smem:$0x3FB4] =	sst s10  }
0x32: {  	s10 =	sld [smem:$0x3FB2];
	_ =	sdelay $0x3  }
0x33: {  	p0 =	seq.s32 s10, $0x1;
	s10 =	sld [smem:$0x3FB4];
	_ =	sdelay $0x3  }
0x34: {  	[smem:$0x3FB4] =	sst s10  }
0x35: {  	s10 =	sld [smem:$0x3FB3];
	_ =	sdelay $0x3  }
0x36: {  	p1 =	seq.s32 s10, $0x1;
	s10 =	sld [smem:$0x3FB4];
	_ =	sdelay $0x3  }
0x37: {  	[smem:$0x3FB4] =	sst s10  }
0x38: {  	s10 =	sld [smem:$0x3FB5]  }
0x39: {  	_ = 	snop;
	(pc) =	sbr.ind lr, $3  }
0x3a: {  	_ = 	snop  }
0x3b: {  	_ = 	snop  }
0x3c: {  	p2 =	seq.s32 s10, $0x1;
	s10 =	sld [smem:$0x3FB4]  }
0x3d: {  	_ =	shalt  }
0x3e: {  	_ =	shalt  }
0x3f: {  	_ =	shalt  }
0x40: {  	_ =	shalt  }
0x41: {  	_ =	shalt  }
0x42: {  	_ =	shalt  }
0x43: {  	_ =	shalt  }
0x44: {  	_ =	shalt  }
0x45: {  	_ =	shalt  }
0x46: {  	_ =	shalt  }
0x47: {  	_ =	shalt  }
0x48: {  	_ =	shalt  }
0x49: {  	_ =	shalt  }
0x4a: {  	_ =	shalt  }
0x4b: {  	_ =	shalt  }
0x4c: {  	_ =	shalt  }
0x4d: {  	_ =	shalt  }
0x4e: {  	_ =	shalt  }
0x4f: {  	_ =	shalt  }
0x50: {  	_ =	shalt  }
0x51: {  	_ =	shalt  }
0x52: {  	_ =	shalt  }
0x53: {  	_ =	shalt  }
0x54: {  	_ =	shalt  }
0x55: {  	_ =	shalt  }
0x56: {  	_ =	shalt  }
0x57: {  	_ =	shalt  }
0x58: {  	_ =	shalt  }
0x59: {  	_ =	shalt  }
0x5a: {  	_ =	shalt  }
0x5b: {  	_ =	shalt  }
0x5c: {  	_ =	shalt  }
0x5d: {  	_ =	shalt  }
0x5e: {  	_ =	shalt  }
0x5f: {  	_ =	shalt  }
0x60: {  	_ =	shalt  }
0x61: {  	_ =	shalt  }
0x62: {  	_ =	shalt  }
0x63: {  	_ =	shalt  }
0x64: {  	_ =	shalt  }
0x65: {  	_ =	shalt  }
0x66: {  	_ =	shalt  }
0x67: {  	_ =	shalt  }
0x68: {  	_ =	shalt  }
0x69: {  	_ =	shalt  }
0x6a: {  	_ =	shalt  }
0x6b: {  	_ =	shalt  }
0x6c: {  	_ =	shalt  }
0x6d: {  	_ =	shalt  }
0x6e: {  	_ =	shalt  }
0x6f: {  	_ =	shalt  }
0x70: {  	_ =	shalt  }
0x71: {  	_ =	shalt  }
0x72: {  	_ =	shalt  }
0x73: {  	_ =	shalt  }
0x74: {  	_ =	shalt  }
0x75: {  	_ =	shalt  }
0x76: {  	_ =	shalt  }
0x77: {  	_ =	shalt  }
0x78: {  	_ =	shalt  }
0x79: {  	_ =	shalt  }
0x7a: {  	_ =	shalt  }
0x7b: {  	_ =	shalt  }
0x7c: {  	_ =	shalt  }
0x7d: {  	_ =	shalt  }
0x7e: {  	_ =	shalt  }
0x7f: {  	_ =	shalt  }
0x80: {  	_ =	shalt  }
0x81: {  	_ =	shalt  }
0x82: {  	_ =	shalt  }
0x83: {  	_ =	shalt  }
0x84: {  	_ =	shalt  }
0x85: {  	_ =	shalt  }
0x86: {  	_ =	shalt  }
0x87: {  	_ =	shalt  }
.Lfunc_end0:
.L_simem_size_0:
called_computation.2_lowered:
.L_overlay_start_0:
0x88: {  	s2 =	sld [smem:$0x3FD9]  }
0x89: {  	s3 =	sld [smem:$0x3FFE];
	_ =	sdelay $0x1  }
0x8a: {  	s1 =	srdreg.scid  }
0x8b: {  	s0 =	sand.u32 $0x1, s1  }
0x8c: {  	s17 =	sshll.u32 s0, $0xA;
	s2 =	sadd.s32 s3, s2  }
0x8d: {  	s2 =	sadd.s32 s2, s17  }
0x8e: {  	[smem:$0x3FC0] =	sst s2  }
0x8f: {  	_ = 	snop  }
0x90: {  	s2 =	sld [smem:$0x3FD0];
	(tm) =	ssettm $0x1  }
0x91: {  	s18 =	sld [smem:$0x3FFB];
	_ =	sdelay $0x3  }
0x92: {  	_ =	strace s18  }
0x93: {  	s3 =	sld [smem:$0x3FFC];
	_ =	sdelay $0x3  }
0x94: {  	_ =	strace s3  }
0x95: {  	s3 =	sld [smem:$0x3FFD];
	_ =	sdelay $0x3  }
0x96: {  	_ =	strace s3  }
0x97: {  	_ =	strace $0x8FFFFFFF  }
0x98: {  	s19 =	sld [smem:$0x3FDB];
	_ =	sdelay $0x1  }
0x99: {  	s4 =	simm.s32 $_scs_section_size  }
0x9a: {  	s5 =	simm.s32 $_size__tile_overlayer_lowered;
	s6 =	simm.s32 $_tile_overlayer_lowered  }
0x9b: {  	s22 =	simm.s32 $0x1BFF;
	s21 =	sshll.u32 s6, $0x1;
	s3 =	sadd.s32 s4, s19  }
0x9c: {  	s7 =	simm.s32 $0x0;
	s20 =	sshll.u32 s5, $0x1;
	s5 =	sadd.s32 s21, s3  }
0x9d: {  	[timem:s7], [sflag:s22] =	dma.local [hbm:s5], s20  }
0x9e: {  	_ =	swait.ge [sflag:s22], s20  }
0x9f: {  	s4 =	ssub.s32 $0x0, s20;
	[sflag:s22] =	ssyncset.done $0x0  }
0xa0: {  	[sflag:s22] =	ssyncadd.s32 s4;
	_ =	sdelay $0x1  }
0xa1: {  	s23 =	simm.s32 $0x1B8B  }
0xa2: {  	_ =	swait.ge [sflag:s23], $0x1  }
0xa3: {  	[sflag:s23] =	ssyncset.done $0x0  }
0xa4: {  	s25 =	simm.s32 $0x1B8E;
	s24 =	sld [smem:$0x3FFE];
	[sflag:s23] =	ssyncadd.s32 $0xFFFFFFFF  }
0xa5: {  	s26 =	simm.s32 $execute0_lowered;
	[smem:$0x3FD2] =	sst s25  }
0xa6: {  	s5 =	sshll.u32 s26, $0x1;
	_ =	strace $0x8000004C;
	[dreg:$0x1] =	wrdreg $0xFFFFFFFF  }
0xa7: {  	s28 =	simm.s32 $_size_execute0_lowered;
	s3 =	sadd.s32 s3, s5;
	[dreg:$0x0] =	wrdreg $0x0  }
0xa8: {  	s5 =	sshll.u32 s28, $0x1;
	[dreg:$0x2] =	wrdreg s3  }
0xa9: {  	[dreg:$0x3] =	wrdreg s5  }
0xaa: {  	[dreg:$0x4] =	wrdreg $0xC0  }
0xab: {  	_ =	task [dreg:s7], $0x5FFFF  }
0xac: {  	[dreg:$0x1] =	wrdreg $0xFFFFFFFF  }
0xad: {  	[dreg:$0x0] =	wrdreg $0x60  }
0xae: {  	[dreg:$0x2] =	wrdreg s2  }
0xaf: {  	[dreg:$0x3] =	wrdreg s24  }
0xb0: {  	[dreg:$0x4] =	wrdreg $0x0  }
0xb1: {  	[dreg:$0x5] =	wrdreg $0x9  }
0xb2: {  	_ =	task.clear_ibuf [dreg:s7], $0x6FFFF;
	_ =	strace $0x9000004C  }
0xb3: {  	s29 =	simm.s32 $0x9;
	_ =	strace $0x8000004E  }
0xb4: {  	_ =	swait.ge [sflag:s29], $0x1  }
0xb5: {  	[sflag:s29] =	ssyncadd.s32 $0xFFFFFFFF  }
0xb6: {  	_ =	strace $0x9000004E  }
0xb7: {  	_ =	sfence  }
0xb8: {  	s30 =	sld [smem:$0x0];
	_ =	sdelay $0x2  }
0xb9: {  	s31 =	sshll.u32 s1, $0xD;
	s1 =	sshrl.u32 s1, $0x2  }
0xba: {  	s3 =	sand.u32 $0x4000, s31;
	s1 =	sadd.s32 s1, s30  }
0xbb: {  	s0 =	sor.u32 s3, s0;
	s1 =	sshll.u32 s1, $0x11  }
0xbc: {  	s0 =	sor.u32 s1, s0  }
0xbd: {  	s0 =	sadd.s32 $0x8F2B, s0  }
0xbe: {  	[sflag:s0] =	ssyncadd.remote.s32 $0x1  }
0xbf: {  	_ =	sfence.sel $0xFFFF  }
0xc0: {  	[dreg:$0x0] =	wrdreg $0xFFFFFFFF;
	(pc) =	sbr.abs _section_cstart, $3  }
0xc1: {  	[dreg:$0x1] =	wrdreg $0xFFFFFFFF  }
0xc2: {  	_ =	task.clear_ibuf [dreg:s7], $0x2FFFF;
	_ =	strace $0x9FFFFFFF  }
0xc3: {  	(tm) =	ssettm $0x7FFFFFFF  }
tec
execute0_lowered:
.L_overlay_start_1:
0x0: {  	(tag) =	ssettag $0x1  }
0x1: {  	s1 =	rddreg [dreg:$0x0]  }
0x2: {  	s6 =	rddreg [dreg:$0x1]  }
0x3: {  	s2 =	rddreg [dreg:$0x2];
	s3 =	srdreg.scid  }
0x4: {  	s4 =	simm.s32 $0x0;
	s14 =	simm.s32 $0x5;
	s15 =	simm.s32 $0x15C00  }
0x5: {  	s18 =	simm.s32 $0x80;
	s19 =	simm.s32 $0x17C00;
	s20 =	simm.s32 $0x13C80  }
0x6: {  	s21 =	simm.s32 $0x1BC00;
	s22 =	simm.s32 $0x1;
	s23 =	simm.s32 $0x2  }
0x7: {  	s24 =	simm.s32 $0x3;
	s7 =	sand.u32 $0x1, s3;
	s3 =	stileid.u32  }
0x8: {  	s25 =	simm.s32 $0x4;
	[smem:$0x7FF] =	sst s4;
	s5 =	smul.u32 $0x13C000, s7  }
0x9: {  	s8 =	sshll.u32 s7, $0xE;
	s9 =	sshll.u32 s3, $0xA;
	s10 =	smul.u32 $0x13C00, s3  }
0xa: {  	_ =	strace $0x8000004D;
	s28 =	ssub.s32 $0x2, s7;
	s30 =	smul.u32 $0x4F000, s3  }
0xb: {  	p0 =	seq.s32 s7, $0x0;
	s16 =	sshll.u32 s3, $0x6;
	s8 =	sor.u32 s9, s8  }
0xc: {  	s29 =	sshrl.u32 s28, $0x1;
	s16 =	sor.u32 $0x1C05, s16;
	s8 =	sadd.s32 s8, s6  }
0xd: {  	s26 =	sadd.s32 s10, s5;
	s5 =	sadd.s32 $0x8A00, s6;
	s10 =	simm.s32 $0x3C  }
0xe: {  	s12 =	ssub.s32 s28, s29;
	s9 =	sshrl.u32 s26, $0x3;
	s10 =	simm.s32 @!p0 $0x14  }
0xf: {  	s7 =	sadd.s32 $0x82200, s8;
	s26 =	simm.s32 $0x0;
	s11 =	sadd.s32 s9, s6  }
0x10: {  	s6 =	sadd.s32 $0x8A200, s8;
	s9 =	sshrl.u32 s30, $0x2;
	s31 =	sshll.u32 s10, $0x7  }
0x11: {  	s13 =	sshrl.u32 s10, $0x1;
	s17 =	sadd.s32 s9, s2;
	s8 =	sadd.s32 $0x15B00, s31  }
0x12: {  	s9 =	sadd.s32 $0x15B80, s31;
	s10 =	sadd.s32 $0xB200, s11;
	s11 =	smax.u32 s12, $0x1  }
0x13: {  	s12 =	sadd.s32 $0xFFFFFFFF, s13;
	s13 =	simm.s32 $0x13C00;
	s17 =	sshrl.u32 s17, $0x3  }
.LBB2_1:
0x14: {  	[tilespmem:s13], [sflag:$0x5] =	stream.linear.gather [hbm4b:s6+s4], $0x1E00, $0x38;
	[tilespmem:$0x1FC00] =	vst v63  }
0x15: {  	_ =	swait.ge [sflag:s14], $0x1E00  }
0x16: {  	[sflag:s14] =	ssyncset.done $0x0  }
0x17: {  	[sflag:s14] =	ssyncadd.s32 $0xFFFFE200  }
0x18: {  	[tilespmem:s15], [sflag:$0x5] =	stream.linear.gather [hbm4b:s7+s4], $0x1E00, $0x38;
	[tilespmem:$0x1FC00] =	vst v63  }
0x19: {  	_ =	swait.ge [sflag:s14], $0x1E00  }
0x1a: {  	[sflag:s14] =	ssyncset.done $0x0  }
0x1b: {  	[sflag:s14] =	ssyncadd.s32 $0xFFFFE200  }
0x1c: {  	[spmem:s17], [sflag:s16] =	dma.local [hbm:s5], $0x2780  }
0x1d: {  	_ =	swait.ge [sflag:s14], $0x2780  }
0x1e: {  	[sflag:s14] =	ssyncset.done $0x0  }
0x1f: {  	[sflag:s14] =	ssyncadd.s32 $0xFFFFD880  }
0x20: {  	[bflag:$0x0] =	sbarrier.arrive $0xFFFF  }
0x21: {  	[tilespmem:s19], [sflag:$0x1] =	stream.indirect.gather [hbm4b:s1+s18], $0x80, s13, s18, $0xb8;
	[tilespmem:$0x1FC00] =	vst v63  }
0x22: {  	_ = 	snop  }
0x23: {  	[tilespmem:s21], [sflag:$0x2] =	stream.indirect.gather [hbm4b:s1+s18], $0x80, s20, s18, $0xb8;
	[tilespmem:$0x1FC00] =	vst v63  }
0x24: {  	_ =	swait.ge [sflag:s22], $0x4000  }
0x25: {  	[sflag:s22] =	ssyncset.done $0x0  }
0x26: {  	s28 =	simm.s32 $0x15C00;
	[sflag:s22] =	ssyncadd.s32 $0xFFFFC000  }
0x27: {  	[spmem:s2] =	stream.indirect.scatter.add.f32 [tilespmem:s19], [sflag:$0x3], $0x80, s28, s18, $0xb8;
	[tilespmem:$0x1FC00] =	vst v63  }
0x28: {  	_ =	swait.ge [sflag:s23], $0x4000  }
0x29: {  	[sflag:s23] =	ssyncset.done $0x0  }
0x2a: {  	s28 =	simm.s32 $0x15C80;
	[sflag:s23] =	ssyncadd.s32 $0xFFFFC000  }
0x2b: {  	[spmem:s2] =	stream.indirect.scatter.add.f32 [tilespmem:s21], [sflag:$0x4], $0x80, s28, s18, $0xb8;
	[tilespmem:$0x1FC00] =	vst v63  }
0x2c: {  	_ =	swait.ge [sflag:s24], $0x4000  }
0x2d: {  	p0 =	sne.s32 s12, $0x1;
	[sflag:s24] =	ssyncset.done $0x0  }
.Ltmp0:
0x2e: {  	s28 =	simm.s32 $0x13D00;
	[sflag:s24] =	ssyncadd.s32 $0xFFFFC000;
	(pc) =	sbr.rel @!p0 .LBB2_3-.Ltmp0, $4  }
0x2f: {  	[tilespmem:s19], [sflag:$0x1] =	stream.indirect.gather [hbm4b:s1+s18], $0x80, s28, s18, $0xb8;
	[tilespmem:$0x1FC00] =	vst v63  }
0x30: {  	_ =	swait.ge [sflag:s25], $0x4000  }
0x31: {  	s29 =	simm.s32 $0x13D80;
	s30 =	simm.s32 $0x13E80;
	[sflag:s25] =	ssyncset.done $0x0  }
0x32: {  	s31 =	simm.s32 $0x15D80;
	s28 =	sadd.s32 $0xFFFFFFFF, s12;
	[sflag:s25] =	ssyncadd.s32 $0xFFFFC000  }
.LBB2_2:
0x33: {  	[tilespmem:s21], [sflag:$0x2] =	stream.indirect.gather [hbm4b:s1+s18], $0x80, s29, s18, $0xb8;
	[tilespmem:$0x1FC00] =	vst v63  }
0x34: {  	p0 =	sne.s32 s28, $0x1;
	s28 =	sadd.s32 $0xFFFFFFFF, s28;
	_ =	swait.ge [sflag:s22], $0x4000  }
0x35: {  	s29 =	smov.u32 s30;
	[sflag:s22] =	ssyncset.done $0x0  }
0x36: {  	s0 =	sadd.s32 $0xFFFFFF80, s31;
	[sflag:s22] =	ssyncadd.s32 $0xFFFFC000  }
0x37: {  	[spmem:s2] =	stream.indirect.scatter.add.f32 [tilespmem:s19], [sflag:$0x3], $0x80, s0, s18, $0xb8;
	[tilespmem:$0x1FC00] =	vst v63  }
0x38: {  	_ =	swait.ge [sflag:s23], $0x4000  }
0x39: {  	[sflag:s23] =	ssyncset.done $0x0  }
0x3a: {  	[sflag:s23] =	ssyncadd.s32 $0xFFFFC000  }
0x3b: {  	[spmem:s2] =	stream.indirect.scatter.add.f32 [tilespmem:s21], [sflag:$0x4], $0x80, s31, s18, $0xb8;
	[tilespmem:$0x1FC00] =	vst v63  }
0x3c: {  	_ =	swait.ge [sflag:s24], $0x4000  }
0x3d: {  	[sflag:s24] =	ssyncset.done $0x0  }
.Ltmp1:
0x3e: {  	s0 =	sadd.s32 $0xFFFFFF80, s30;
	[sflag:s24] =	ssyncadd.s32 $0xFFFFC000;
	(pc) =	sbr.rel @p0 .LBB2_2-.Ltmp1, $4  }
0x3f: {  	[tilespmem:s19], [sflag:$0x1] =	stream.indirect.gather [hbm4b:s1+s18], $0x80, s0, s18, $0xb8;
	[tilespmem:$0x1FC00] =	vst v63  }
0x40: {  	_ =	swait.ge [sflag:s25], $0x4000  }
0x41: {  	[sflag:s25] =	ssyncset.done $0x0  }
0x42: {  	s30 =	sadd.s32 $0x100, s30;
	s31 =	sadd.s32 $0x100, s31;
	[sflag:s25] =	ssyncadd.s32 $0xFFFFC000  }
.LBB2_3:
0x43: {  	[tilespmem:s21], [sflag:$0x2] =	stream.indirect.gather [hbm4b:s1+s18], $0x80, s29, s18, $0xb8;
	[tilespmem:$0x1FC00] =	vst v63  }
0x44: {  	_ =	swait.ge [sflag:s22], $0x4000  }
0x45: {  	[sflag:s22] =	ssyncset.done $0x0  }
0x46: {  	[sflag:s22] =	ssyncadd.s32 $0xFFFFC000  }
0x47: {  	[spmem:s2] =	stream.indirect.scatter.add.f32 [tilespmem:s19], [sflag:$0x3], $0x80, s8, s18, $0xb8;
	[tilespmem:$0x1FC00] =	vst v63  }
0x48: {  	_ =	swait.ge [sflag:s23], $0x4000  }
0x49: {  	[sflag:s23] =	ssyncset.done $0x0  }
0x4a: {  	[sflag:s23] =	ssyncadd.s32 $0xFFFFC000  }
0x4b: {  	[spmem:s2] =	stream.indirect.scatter.add.f32 [tilespmem:s21], [sflag:$0x4], $0x80, s9, s18, $0xb8;
	[tilespmem:$0x1FC00] =	vst v63  }
0x4c: {  	_ =	swait.ge [sflag:s24], $0x4000  }
0x4d: {  	[sflag:s24] =	ssyncset.done $0x0  }
0x4e: {  	[sflag:s24] =	ssyncadd.s32 $0xFFFFC000  }
0x4f: {  	_ =	swait.ge [sflag:s25], $0x4000  }
0x50: {  	s26 =	sadd.s32 $0x1, s26;
	[sflag:s25] =	ssyncset.done $0x0  }
0x51: {  	p0 =	sne.s32 s26, s11;
	[sflag:s25] =	ssyncadd.s32 $0xFFFFC000  }
.Ltmp2:
0x52: {  	[bflag:$0x0] =	sbarrier.arrive $0xFFFF;
	(pc) =	sbr.rel @p0 .LBB2_1-.Ltmp2, $4  }
0x53: {  	[hbm:s10], [sflag:s16] =	dma.local [spmem:s17], $0x2780  }
0x54: {  	_ =	swait.ge [sflag:s14], $0x2780  }
0x55: {  	[sflag:s14] =	ssyncset.done $0x0  }
0x56: {  	[sflag:s14] =	ssyncadd.s32 $0xFFFFD880  }
0x57: {  	_ =	sfence.sel $0x180000  }
0x58: {  	[bflag:$0x0] =	sbarrier.arrive $0xFFFF  }
0x59: {  	_ =	strace $0x9000004D  }
0x5a: {  	[bflag:$0x2] =	sbarrier.arrive $0xFFFF  }
0x5b: {  	p0 =	sne.s32 s3, $0x0;
	s0 =	rddreg [dreg:$0x3]  }
0x5c: {  	s0 =	sadd.s32 @!p0 $0x100000, s0  }
0x5d: {  	[sflag:s0] =	ssyncadd.tile.s32 @!p0 $0x1;
	_ =	shalt  }
.Lfunc_end2:
_tile_overlayer_lowered:
.L_overlay_start_2:
0x5e: {  	(tag) =	ssettag $0x2  }
0x5f: {  	s0 =	rddreg [dreg:$0x0];
	s2 =	stileid.u32  }
0x60: {  	s1 =	rddreg [dreg:$0x1];
	p0 =	sne.s32 s2, $0x0  }
0x61: {  	s3 =	rddreg [dreg:$0x2];
	[bflag:$0x3] =	sbarrier.arrive $0xFFFF;
	s2 =	simm.s32 @!p0 $0x1C05  }
0x62: {  	[timem:s3], [sflag:s2] =	dma.local @!p0 [hbm:s0], s1  }
0x63: {  	s0 =	simm.s32 @!p0 $0x5  }
0x64: {  	_ =	swait.ge @!p0 [sflag:s0], s1  }
0x65: {  	s1 =	ssub.s32 @!p0 $0x0, s1;
	[sflag:s0] =	ssyncset.done @!p0 $0x0  }
0x66: {  	[sflag:s0] =	ssyncadd.s32 @!p0 s1  }
0x67: {  	[bflag:$0x3] =	sbarrier.arrive $0xFFFF  }
0x68: {  	_ =	shalt  }

// kernel: kernel.9.cloned.1.call-start
scs
__scs_entry_jumppad:
0x0: {  	(pc) =	sbr.rel $0x88, $3  }
0x1: {  	(tag) =	ssettag $0x0;
	lr =	simm.s32 $0x1  }
0x2: {  	[smem:$0x3F99] =	sst lr;
	_ =	strace $0xD0000000  }
0x3: {  	_ = 	snop  }
0x4: {  	_ = 	snop  }
0x5: {  	_ = 	snop  }
0x6: {  	_ = 	snop  }
0x7: {  	_ = 	snop  }
__scs_overlays_trampoline_lowered:
0x8: {  	[smem:$0x3FA8] =	sst s0  }
0x9: {  	[smem:$0x3FA9] =	sst s1  }
0xa: {  	[smem:$0x3FAA] =	sst s2  }
0xb: {  	[smem:$0x3FAB] =	sst s3  }
0xc: {  	[smem:$0x3FAC] =	sst s4  }
0xd: {  	[smem:$0x3FAD] =	sst s5  }
0xe: {  	[smem:$0x3FAE] =	sst s6  }
0xf: {  	[smem:$0x3FAF] =	sst s7  }
0x10: {  	[smem:$0x3FB0] =	sst s8  }
0x11: {  	[smem:$0x3FB1] =	sst s9;
	s0 =	simm.s32 @!p0 $0x0  }
0x12: {  	s1 =	sld [smem:$0x3F97];
	s0 =	simm.s32 @p0 $0x1  }
0x13: {  	[smem:$0x3FB2] =	sst s0;
	s0 =	simm.s32 @!p1 $0x0  }
0x14: {  	s2 =	sld [smem:$0x3F96];
	s0 =	simm.s32 @p1 $0x1  }
0x15: {  	[smem:$0x3FB3] =	sst s0;
	s0 =	simm.s32 @!p2 $0x0  }
0x16: {  	s3 =	sld [smem:$0x3FDB];
	s0 =	simm.s32 @p2 $0x1  }
0x17: {  	s4 =	simm.s32 $0x1BF5;
	[smem:$0x3FB5] =	sst s0  }
0x18: {  	s0 =	sld [smem:$0x3F98];
	_ =	swait.ge [sflag:s4], $0x0  }
0x19: {  	s7 =	sld [smem:$0x3F99]  }
0x1a: {  	s8 =	sadd.s32 $0xFFFFE003, lr  }
0x1b: {  	s9 =	sadd.s32 $0xFFFFFEF7, lr;
	s5 =	simm.s32 $0xFFFFFFFF;
	p2 =	slt.u32 s8, $0xFFFFF086  }
0x1c: {  	p1 =	slt.u32 s9, $0xF7A;
	s5 =	simm.s32 @!p2 $0x0  }
0x1d: {  	s5 =	simm.s32 @p1 $0x1;
	p0 =	seq.s32 s7, s2  }
0x1e: {  	s7 =	smul.u32 @!p0 $0xF7A, s2;
	p2 =	seq.s32 @!p0 s5, $0x0  }
0x1f: {  	s9 =	smul.u32 $0xF7A, s1;
	s8 =	simm.s32 @!p0 $0x1BF5;
	p2 =	por !p2, p0  }
0x20: {  	[sflag:s8] =	ssyncset.s32 @!p0 $0xFFFFF086;
	s6 =	sadd.s32 @!p0 s3, s7;
	s7 =	simm.s32 @!p0 $0x108  }
0x21: {  	s3 =	sadd.s32 s3, s9;
	s6 =	sadd.s32 @!p0 $0x88, s6;
	s7 =	simm.s32 @p2 $0x1082  }
0x22: {  	[simem:s7], [sflag:s8] =	dma.local @!p0 [hbm:s6], $0xF7A  }
0x23: {  	s9 =	sor.u32 $0xD0000000, s2;
	s6 =	simm.s32 $0x108;
	_ =	swait.ge @!p0 [sflag:s8], $0x0  }
0x24: {  	s3 =	sadd.s32 $0x88, s3;
	s6 =	simm.s32 @!p1 $0x1082;
	[sflag:s4] =	ssyncset.s32 $0xFFFFF086  }
0x25: {  	[simem:s6], [sflag:s4] =	dma.local [hbm:s3], $0xF7A  }
0x26: {  	[smem:$0x3F99] =	sst s1;
	(tag) =	ssettag s2;
	_ =	strace s9  }
0x27: {  	s1 =	sld [smem:$0x3FA9]  }
0x28: {  	s2 =	sld [smem:$0x3FAA]  }
0x29: {  	s4 =	sld [smem:$0x3FAC]  }
0x2a: {  	p0 =	seq.s32 s5, $0x0;
	s5 =	sld [smem:$0x3FAD]  }
0x2b: {  	s6 =	sld [smem:$0x3FAE]  }
0x2c: {  	s7 =	sld [smem:$0x3FAF]  }
0x2d: {  	s3 =	simm.s32 $0x108;
	s8 =	sld [smem:$0x3FB0]  }
0x2e: {  	s3 =	simm.s32 @!p0 $0x1082;
	s9 =	sld [smem:$0x3FB1]  }
0x2f: {  	lr =	sadd.s32 s0, s3;
	s0 =	sld [smem:$0x3FA8]  }
0x30: {  	s3 =	sld [smem:$0x3FAB]  }
0x31: {  	[smem:$0x3FB4] =	sst s10  }
0x32: {  	s10 =	sld [smem:$0x3FB2];
	_ =	sdelay $0x3  }
0x33: {  	p0 =	seq.s32 s10, $0x1;
	s10 =	sld [smem:$0x3FB4];
	_ =	sdelay $0x3  }
0x34: {  	[smem:$0x3FB4] =	sst s10  }
0x35: {  	s10 =	sld [smem:$0x3FB3];
	_ =	sdelay $0x3  }
0x36: {  	p1 =	seq.s32 s10, $0x1;
	s10 =	sld [smem:$0x3FB4];
	_ =	sdelay $0x3  }
0x37: {  	[smem:$0x3FB4] =	sst s10  }
0x38: {  	s10 =	sld [smem:$0x3FB5]  }
0x39: {  	_ = 	snop;
	(pc) =	sbr.ind lr, $3  }
0x3a: {  	_ = 	snop  }
0x3b: {  	_ = 	snop  }
0x3c: {  	p2 =	seq.s32 s10, $0x1;
	s10 =	sld [smem:$0x3FB4]  }
0x3d: {  	_ =	shalt  }
0x3e: {  	_ =	shalt  }
0x3f: {  	_ =	shalt  }
0x40: {  	_ =	shalt  }
0x41: {  	_ =	shalt  }
0x42: {  	_ =	shalt  }
0x43: {  	_ =	shalt  }
0x44: {  	_ =	shalt  }
0x45: {  	_ =	shalt  }
0x46: {  	_ =	shalt  }
0x47: {  	_ =	shalt  }
0x48: {  	_ =	shalt  }
0x49: {  	_ =	shalt  }
0x4a: {  	_ =	shalt  }
0x4b: {  	_ =	shalt  }
0x4c: {  	_ =	shalt  }
0x4d: {  	_ =	shalt  }
0x4e: {  	_ =	shalt  }
0x4f: {  	_ =	shalt  }
0x50: {  	_ =	shalt  }
0x51: {  	_ =	shalt  }
0x52: {  	_ =	shalt  }
0x53: {  	_ =	shalt  }
0x54: {  	_ =	shalt  }
0x55: {  	_ =	shalt  }
0x56: {  	_ =	shalt  }
0x57: {  	_ =	shalt  }
0x58: {  	_ =	shalt  }
0x59: {  	_ =	shalt  }
0x5a: {  	_ =	shalt  }
0x5b: {  	_ =	shalt  }
0x5c: {  	_ =	shalt  }
0x5d: {  	_ =	shalt  }
0x5e: {  	_ =	shalt  }
0x5f: {  	_ =	shalt  }
0x60: {  	_ =	shalt  }
0x61: {  	_ =	shalt  }
0x62: {  	_ =	shalt  }
0x63: {  	_ =	shalt  }
0x64: {  	_ =	shalt  }
0x65: {  	_ =	shalt  }
0x66: {  	_ =	shalt  }
0x67: {  	_ =	shalt  }
0x68: {  	_ =	shalt  }
0x69: {  	_ =	shalt  }
0x6a: {  	_ =	shalt  }
0x6b: {  	_ =	shalt  }
0x6c: {  	_ =	shalt  }
0x6d: {  	_ =	shalt  }
0x6e: {  	_ =	shalt  }
0x6f: {  	_ =	shalt  }
0x70: {  	_ =	shalt  }
0x71: {  	_ =	shalt  }
0x72: {  	_ =	shalt  }
0x73: {  	_ =	shalt  }
0x74: {  	_ =	shalt  }
0x75: {  	_ =	shalt  }
0x76: {  	_ =	shalt  }
0x77: {  	_ =	shalt  }
0x78: {  	_ =	shalt  }
0x79: {  	_ =	shalt  }
0x7a: {  	_ =	shalt  }
0x7b: {  	_ =	shalt  }
0x7c: {  	_ =	shalt  }
0x7d: {  	_ =	shalt  }
0x7e: {  	_ =	shalt  }
0x7f: {  	_ =	shalt  }
0x80: {  	_ =	shalt  }
0x81: {  	_ =	shalt  }
0x82: {  	_ =	shalt  }
0x83: {  	_ =	shalt  }
0x84: {  	_ =	shalt  }
0x85: {  	_ =	shalt  }
0x86: {  	_ =	shalt  }
0x87: {  	_ =	shalt  }
.Lfunc_end0:
.L_simem_size_0:
called_computation_lowered:
.L_overlay_start_0:
0x88: {  	s2 =	sld [smem:$0x3FD9]  }
0x89: {  	s3 =	sld [smem:$0x3FFE];
	_ =	sdelay $0x1  }
0x8a: {  	s1 =	srdreg.scid  }
0x8b: {  	s0 =	sand.u32 $0x1, s1  }
0x8c: {  	s16 =	sshll.u32 s0, $0xA;
	s2 =	sadd.s32 s3, s2  }
0x8d: {  	s2 =	sadd.s32 s2, s16  }
0x8e: {  	[smem:$0x3FC0] =	sst s2  }
0x8f: {  	_ = 	snop  }
0x90: {  	(tm) =	ssettm $0x1  }
0x91: {  	s17 =	sld [smem:$0x3FFB];
	_ =	sdelay $0x3  }
0x92: {  	_ =	strace s17  }
0x93: {  	s2 =	sld [smem:$0x3FFC];
	_ =	sdelay $0x3  }
0x94: {  	_ =	strace s2  }
0x95: {  	s2 =	sld [smem:$0x3FFD];
	_ =	sdelay $0x3  }
0x96: {  	_ =	strace s2  }
0x97: {  	_ =	strace $0x8FFFFFFF  }
0x98: {  	s18 =	sld [smem:$0x3FDB];
	_ =	sdelay $0x1  }
0x99: {  	s19 =	simm.s32 $_scs_section_size  }
0x9a: {  	s4 =	simm.s32 $_size__tile_overlayer_lowered;
	s5 =	simm.s32 $_tile_overlayer_lowered  }
0x9b: {  	s22 =	simm.s32 $0x1BFF;
	s21 =	sshll.u32 s5, $0x1;
	s2 =	sadd.s32 s19, s18  }
0x9c: {  	s6 =	simm.s32 $0x0;
	s20 =	sshll.u32 s4, $0x1;
	s4 =	sadd.s32 s21, s2  }
0x9d: {  	[timem:s6], [sflag:s22] =	dma.local [hbm:s4], s20  }
0x9e: {  	_ =	swait.ge [sflag:s22], s20  }
0x9f: {  	s3 =	ssub.s32 $0x0, s20;
	[sflag:s22] =	ssyncset.done $0x0  }
0xa0: {  	[sflag:s22] =	ssyncadd.s32 s3;
	_ =	sdelay $0x1  }
0xa1: {  	s23 =	simm.s32 $0x1B8B  }
0xa2: {  	_ =	swait.ge [sflag:s23], $0x1  }
0xa3: {  	[sflag:s23] =	ssyncset.done $0x0  }
0xa4: {  	s25 =	simm.s32 $0x1B8E;
	s24 =	sld [smem:$0x3FFE];
	[sflag:s23] =	ssyncadd.s32 $0xFFFFFFFF  }
0xa5: {  	s26 =	simm.s32 $execute0_lowered;
	[smem:$0x3FD2] =	sst s25  }
0xa6: {  	s4 =	sshll.u32 s26, $0x1;
	_ =	strace $0x80000046;
	[dreg:$0x1] =	wrdreg $0xFFFFFFFF  }
0xa7: {  	s28 =	simm.s32 $_size_execute0_lowered;
	s2 =	sadd.s32 s2, s4;
	[dreg:$0x0] =	wrdreg $0x0  }
0xa8: {  	s4 =	sshll.u32 s28, $0x1;
	[dreg:$0x2] =	wrdreg s2  }
0xa9: {  	[dreg:$0x3] =	wrdreg s4  }
0xaa: {  	[dreg:$0x4] =	wrdreg $0xC0  }
0xab: {  	_ =	task [dreg:s6], $0x5FFFF  }
0xac: {  	[dreg:$0x1] =	wrdreg $0xFFFFFFFF  }
0xad: {  	[dreg:$0x0] =	wrdreg $0x60  }
0xae: {  	[dreg:$0x2] =	wrdreg s24  }
0xaf: {  	[dreg:$0x3] =	wrdreg $0x0  }
0xb0: {  	[dreg:$0x4] =	wrdreg $0x9  }
0xb1: {  	_ =	task.clear_ibuf [dreg:s6], $0x5FFFF;
	_ =	strace $0x90000046  }
0xb2: {  	s29 =	simm.s32 $0x9;
	_ =	strace $0x80000048  }
0xb3: {  	_ =	swait.ge [sflag:s29], $0x1  }
0xb4: {  	[sflag:s29] =	ssyncadd.s32 $0xFFFFFFFF  }
0xb5: {  	_ =	strace $0x90000048  }
0xb6: {  	_ =	sfence  }
0xb7: {  	s30 =	sld [smem:$0x0];
	_ =	sdelay $0x2  }
0xb8: {  	s31 =	sshll.u32 s1, $0xD;
	s1 =	sshrl.u32 s1, $0x2  }
0xb9: {  	s3 =	sand.u32 $0x4000, s31;
	s1 =	sadd.s32 s1, s30  }
0xba: {  	s0 =	sor.u32 s3, s0;
	s1 =	sshll.u32 s1, $0x11  }
0xbb: {  	s0 =	sor.u32 s1, s0  }
0xbc: {  	s0 =	sadd.s32 $0x8F2B, s0  }
0xbd: {  	[sflag:s0] =	ssyncadd.remote.s32 $0x1  }
0xbe: {  	_ =	sfence.sel $0xFFFF  }
0xbf: {  	[dreg:$0x0] =	wrdreg $0xFFFFFFFF;
	(pc) =	sbr.abs _section_cstart, $3  }
0xc0: {  	[dreg:$0x1] =	wrdreg $0xFFFFFFFF  }
0xc1: {  	_ =	task.clear_ibuf [dreg:s6], $0x2FFFF;
	_ =	strace $0x9FFFFFFF  }
0xc2: {  	(tm) =	ssettm $0x7FFFFFFF  }
0xc3: {  	_ =	shalt  }
tec
execute0_lowered:
.L_overlay_start_1:
0x0: {  	(tag) =	ssettag $0x1  }
0x1: {  	s1 =	srdreg.scid;
	s6 =	rddreg [dreg:$0x0]  }
0x2: {  	s0 =	stileid.u32;
	s2 =	rddreg [dreg:$0x1]  }
0x3: {  	s3 =	simm.s32 $0x0;
	s14 =	simm.s32 $0x80;
	s15 =	simm.s32 $0x0  }
0x4: {  	s5 =	sand.u32 $0x1, s1;
	s30 =	sshll.u32 s0, $0x1;
	s8 =	smul.u32 $0x13C00, s0  }
0x5: {  	[smem:$0x7FF] =	sst s3;
	s10 =	smul.u32 $0x4F000, s0;
	s12 =	sshll.u32 s0, $0x6  }
0x6: {  	s1 =	sor.u32 s5, s30;
	s7 =	smul.u32 $0x13C000, s5;
	s31 =	ssub.s32 $0x2, s5  }
0x7: {  	s5 =	sadd.s32 $0xB200, s6;
	s12 =	sor.u32 $0x1C01, s12;
	s4 =	smul.u32 $0x280, s1  }
0x8: {  	s1 =	rddreg [dreg:$0x2];
	_ =	strace $0x80000047;
	s11 =	sshrl.u32 s31, $0x1  }
0x9: {  	s10 =	sshrl.u32 s10, $0x2;
	s7 =	sadd.s32 s8, s7;
	s8 =	ssub.s32 s31, s11  }
0xa: {  	s13 =	sadd.s32 s10, s2;
	s10 =	simm.s32 $0x1;
	s11 =	simm.s32 $0x15000  }
0xb: {  	s9 =	sadd.s32 s4, s6;
	s4 =	sadd.s32 $0x8A00, s6;
	s7 =	sshrl.u32 s7, $0x3  }
0xc: {  	s8 =	smax.u32 s8, $0x1;
	s13 =	sshrl.u32 s13, $0x3;
	s7 =	sadd.s32 s7, s6  }
0xd: {  	s6 =	sadd.s32 $0x3A00, s9;
	s9 =	simm.s32 $0x13C00;
	s7 =	sadd.s32 $0xBA00, s7  }
.LBB2_1:
0xe: {  	[tilespmem:s9], [sflag:$0x1] =	stream.linear.gather [hbm4b:s6+s3], $0x1400, $0x38;
	[tilespmem:$0x19000] =	vst v63  }
0xf: {  	_ =	swait.ge [sflag:s10], $0x1400  }
0x10: {  	[sflag:s10] =	ssyncset.done $0x0  }
0x11: {  	[sflag:s10] =	ssyncadd.s32 $0xFFFFEC00  }
0x12: {  	[tilespmem:s11], [sflag:$0x1] =	stream.linear.gather [hbm4b:s5+s3], $0x4000, $0x38;
	[tilespmem:$0x19000] =	vst v63  }
0x13: {  	_ =	swait.ge [sflag:s10], $0x4000  }
0x14: {  	[sflag:s10] =	ssyncset.done $0x0  }
0x15: {  	[sflag:s10] =	ssyncadd.s32 $0xFFFFC000  }
0x16: {  	[spmem:s13], [sflag:s12] =	dma.local [hbm:s4], $0x2780  }
0x17: {  	_ =	swait.ge [sflag:s10], $0x2780  }
0x18: {  	[sflag:s10] =	ssyncset.done $0x0  }
0x19: {  	[sflag:s10] =	ssyncadd.s32 $0xFFFFD880  }
0x1a: {  	s16 =	simm.s32 $0x13C00;
	[bflag:$0x0] =	sbarrier.arrive $0xFFFF  }
0x1b: {  	[spmem:s2] =	stream.indirect.scatter.add.f32 [tilespmem:s11], [sflag:$0x1], $0x80, s16, s14, $0xb8;
	[tilespmem:$0x19000] =	vst v63  }
0x1c: {  	s16 =	simm.s32 $0x200;
	_ =	swait.ge [sflag:s10], $0x4000  }
.LBB2_2:
0x1d: {  	s17 =	sshra.s32 s16, $0x2;
	[sflag:s10] =	ssyncset.done $0x0;
	p0 =	sne.s32 s16, $0x4E00  }
.Ltmp0:
0x1e: {  	s17 =	sadd.s32 $0x13C00, s17;
	[sflag:s10] =	ssyncadd.s32 $0xFFFFC000;
	(pc) =	sbr.rel @p0 .LBB2_2-.Ltmp0, $3  }
0x1f: {  	[spmem:s2] =	stream.indirect.scatter.add.f32 [tilespmem:s11], [sflag:$0x1], $0x80, s17, s14, $0xb8;
	[tilespmem:$0x19000] =	vst v63  }
0x20: {  	s16 =	sadd.s32 $0x200, s16;
	_ =	sdelay $0x1  }
0x21: {  	_ =	swait.ge [sflag:s10], $0x4000  }
0x22: {  	[sflag:s10] =	ssyncset.done $0x0;
	s15 =	sadd.s32 $0x1, s15  }
0x23: {  	[sflag:s10] =	ssyncadd.s32 $0xFFFFC000;
	p0 =	sne.s32 s15, s8  }
.Ltmp1:
0x24: {  	[bflag:$0x0] =	sbarrier.arrive $0xFFFF;
	(pc) =	sbr.rel @p0 .LBB2_1-.Ltmp1, $4  }
0x25: {  	[hbm:s7], [sflag:s12] =	dma.local [spmem:s13], $0x2780  }
0x26: {  	_ =	swait.ge [sflag:s10], $0x2780  }
0x27: {  	[sflag:s10] =	ssyncset.done $0x0  }
0x28: {  	[sflag:s10] =	ssyncadd.s32 $0xFFFFD880  }
0x29: {  	_ =	sfence.sel $0x180000  }
0x2a: {  	[bflag:$0x0] =	sbarrier.arrive $0xFFFF  }
0x2b: {  	p0 =	sne.s32 s0, $0x0;
	_ =	strace $0x90000047  }
0x2c: {  	s0 =	sadd.s32 @!p0 $0x100000, s1;
	[bflag:$0x2] =	sbarrier.arrive $0xFFFF  }
0x2d: {  	[sflag:s0] =	ssyncadd.tile.s32 @!p0 $0x1;
	_ =	shalt  }
.Lfunc_end2:
_tile_overlayer_lowered:
.L_overlay_start_2:
0x2e: {  	(tag) =	ssettag $0x2  }
0x2f: {  	s0 =	rddreg [dreg:$0x0];
	s2 =	stileid.u32  }
0x30: {  	s1 =	rddreg [dreg:$0x1];
	p0 =	sne.s32 s2, $0x0  }
0x31: {  	s3 =	rddreg [dreg:$0x2];
	[bflag:$0x3] =	sbarrier.arrive $0xFFFF;
	s2 =	simm.s32 @!p0 $0x1C01  }
0x32: {  	[timem:s3], [sflag:s2] =	dma.local @!p0 [hbm:s0], s1  }
0x33: {  	s0 =	simm.s32 @!p0 $0x1  }
0x34: {  	_ =	swait.ge @!p0 [sflag:s0], s1  }
0x35: {  	s1 =	ssub.s32 @!p0 $0x0, s1;
	[sflag:s0] =	ssyncset.done @!p0 $0x0  }
0x36: {  	[sflag:s0] =	ssyncadd.s32 @!p0 s1  }
0x37: {  	[bflag:$0x3] =	sbarrier.arrive $0xFFFF  }
0x38: {  	_ =	shalt  }

</sc_bundles>
